<compile_context>
chip_gen: v7x
topology: tpu7x:2x2x1
jax: 0.10.2.dev20260603
libtpu: 0.0.44.dev20260713+nightly
codegen_flags: <defaults>
</compile_context>

<pallas_src>
import dataclasses
import functools

import jax
import jax.numpy as jnp
import numpy as np
from jax import lax
from jax.experimental import pallas as pl
from jax.experimental.pallas import tpu as pltpu
from jax.experimental.pallas import tpu_sc as plsc

_B = 16
_NP = 4096
_S = 512
_K = 64
_D = 64
_R = 0.2


_SL = 32


def _fps_body(px_ref, py_ref, pz_ref, idx_ref, qx_ref, qy_ref, qz_ref, d_ref):
    px = px_ref[...]
    py = py_ref[...]
    pz = pz_ref[...]
    li = (jax.lax.broadcasted_iota(jnp.int32, (1, _SL, 128), 1) * 128
          + jax.lax.broadcasted_iota(jnp.int32, (1, _SL, 128), 2))
    li_s = (jax.lax.broadcasted_iota(jnp.int32, (1, 4, 128), 1) * 128
            + jax.lax.broadcasted_iota(jnp.int32, (1, 4, 128), 2))

    def point_coords(nxt):
        sel = li == nxt
        sx = jnp.sum(jnp.where(sel, px, 0.0), axis=(1, 2), keepdims=True)
        sy = jnp.sum(jnp.where(sel, py, 0.0), axis=(1, 2), keepdims=True)
        sz = jnp.sum(jnp.where(sel, pz, 0.0), axis=(1, 2), keepdims=True)
        return sx, sy, sz

    zero = jnp.zeros((_B, 1, 1), jnp.int32)
    sx, sy, sz = point_coords(zero)
    d_ref[...] = (px - sx) ** 2 + (py - sy) ** 2 + (pz - sz) ** 2
    idx_ref[...] = jnp.zeros((_B, 4, 128), jnp.int32)
    qx_ref[...] = jnp.where(li_s == 0, sx, 0.0)
    qy_ref[...] = jnp.where(li_s == 0, sy, 0.0)
    qz_ref[...] = jnp.where(li_s == 0, sz, 0.0)

    def body(i, _):
        d = d_ref[...]
        m = jnp.max(d, axis=(1, 2), keepdims=True)
        nxt = jnp.min(jnp.where(d == m, li, jnp.int32(1 << 30)),
                      axis=(1, 2), keepdims=True)
        sx, sy, sz = point_coords(nxt)
        dn = (px - sx) ** 2 + (py - sy) ** 2 + (pz - sz) ** 2
        d_ref[...] = jnp.minimum(d, dn)
        at_i = li_s == i
        idx_ref[...] = jnp.where(at_i, nxt, idx_ref[...])
        qx_ref[...] = jnp.where(at_i, sx, qx_ref[...])
        qy_ref[...] = jnp.where(at_i, sy, qy_ref[...])
        qz_ref[...] = jnp.where(at_i, sz, qz_ref[...])
        return 0

    jax.lax.fori_loop(1, _S, body, 0)


def _fps_all(pos_b):
    px = pos_b[:, :, 0].reshape(_B, _SL, 128)
    py = pos_b[:, :, 1].reshape(_B, _SL, 128)
    pz = pos_b[:, :, 2].reshape(_B, _SL, 128)
    out_shapes = (
        jax.ShapeDtypeStruct((_B, 4, 128), jnp.int32),
        jax.ShapeDtypeStruct((_B, 4, 128), jnp.float32),
        jax.ShapeDtypeStruct((_B, 4, 128), jnp.float32),
        jax.ShapeDtypeStruct((_B, 4, 128), jnp.float32),
    )
    idxs, qx, qy, qz = pl.pallas_call(
        _fps_body,
        out_shape=out_shapes,
        scratch_shapes=[pltpu.VMEM((_B, _SL, 128), jnp.float32)],
    )(px, py, pz)
    idx_local = idxs.reshape(_B, _S)
    q = jnp.stack([qx.reshape(_B, _S), qy.reshape(_B, _S), qz.reshape(_B, _S)],
                  axis=-1)
    return idx_local, q


_R2F = np.float32(_R * _R)
_R2BITS = int(np.float32(_R * _R).view(np.int32))


def _ballq_body(pos_ref, q_ref, d2_ref, tau_ref):
    px = pos_ref[0, 0:1, :]
    py = pos_ref[0, 1:2, :]
    pz = pos_ref[0, 2:3, :]
    qx = q_ref[0, :, 0:1]
    qy = q_ref[0, :, 1:2]
    qz = q_ref[0, :, 2:3]
    d2 = (qx - px) ** 2 + (qy - py) ** 2 + (qz - pz) ** 2
    d2_ref[0] = d2
    d2b = jax.lax.bitcast_convert_type(d2, jnp.int32)
    in_r = d2 <= _R2F
    d2m = jnp.where(in_r, d2b, jnp.int32(0x7F7FFFFF))
    cnt0 = jnp.sum(in_r.astype(jnp.int32), axis=1, keepdims=True)
    g = jnp.minimum(cnt0, _K)

    def body(_, state):
        lo, hi = state
        mid = (lo + hi) >> 1
        cnt = jnp.sum((d2m <= mid).astype(jnp.int32), axis=1, keepdims=True)
        ge = cnt >= g
        return (jnp.where(ge, lo, mid + 1), jnp.where(ge, mid, hi))

    lo = jnp.zeros((_S, 1), jnp.int32)
    hi = jnp.full((_S, 1), jnp.int32(_R2BITS))
    lo, hi = jax.lax.fori_loop(0, 30, body, (lo, hi))
    tau_ref[0] = jax.lax.bitcast_convert_type(hi, jnp.float32)


def _ballq(pos_b, q):
    pos_t = pos_b.transpose(0, 2, 1)
    d2, tau = pl.pallas_call(
        _ballq_body,
        grid=(_B,),
        in_specs=[
            pl.BlockSpec((1, 3, _NP), lambda i: (i, 0, 0)),
            pl.BlockSpec((1, _S, 3), lambda i: (i, 0, 0)),
        ],
        out_specs=[
            pl.BlockSpec((1, _S, _NP), lambda i: (i, 0, 0)),
            pl.BlockSpec((1, _S, 1), lambda i: (i, 0, 0)),
        ],
        out_shape=(
            jax.ShapeDtypeStruct((_B, _S, _NP), jnp.float32),
            jax.ShapeDtypeStruct((_B, _S, 1), jnp.float32),
        ),
    )(pos_t, q)
    return d2, tau.reshape(_B, _S)


_NQ = _B * _S
_NT = 32
_QPT = _NQ // _NT
_GD = 128


def _sc_mesh():
    return plsc.VectorSubcoreMesh(core_axis_name="c", subcore_axis_name="s")


def _sc_params():
    cp = pltpu.CompilerParams()
    if "needs_layout_passes" in pltpu.CompilerParams.__dataclass_fields__:
        cp = dataclasses.replace(cp, needs_layout_passes=False)
    return cp


def _compact_sc(d2_flat, tau_flat, selfg):

    @functools.partial(
        pl.kernel,
        mesh=_sc_mesh(),
        compiler_params=_sc_params(),
        out_type=jax.ShapeDtypeStruct((_NQ * _K,), jnp.int32),
        scratch_types=[
            pltpu.VMEM((_NP,), jnp.float32),
            pltpu.VMEM((_NP,), jnp.float32),
            pltpu.VMEM((_QPT + 16,), jnp.float32),
            pltpu.VMEM((_QPT + 16,), jnp.int32),
            pltpu.VMEM((128,), jnp.int32),
            pltpu.SemaphoreType.DMA,
            pltpu.SemaphoreType.DMA,
        ],
    )
    def k(d2_hbm, tau_hbm, selfg_hbm, nbr_hbm, rowA, rowB, tauv, selfv, outv,
          semA, semB):
        wid = lax.axis_index("s") * 2 + lax.axis_index("c")
        base = wid * _QPT
        pltpu.sync_copy(tau_hbm.at[pl.ds(base, _QPT)], tauv.at[pl.ds(0, _QPT)])
        pltpu.sync_copy(selfg_hbm.at[pl.ds(base, _QPT)],
                        selfv.at[pl.ds(0, _QPT)])

        def process(t, row):
            qglob = base + t
            tau = tauv[pl.ds(t, 16)][0]
            selfs = selfv[pl.ds(t, 16)][0]
            jbase = (qglob // _S) * _NP
            selfvec = lax.broadcast(selfs, (16,))
            for s in range(5):
                outv[pl.ds(16 * s, 16)] = selfvec
            tvec = lax.broadcast(tau, (16,))
            i16 = lax.broadcasted_iota(jnp.int32, (16,), 0)

            def chunk(c, voff):
                v = row[pl.ds(c * 16, 16)]
                m = v <= tvec
                idx = i16 + (jbase + c * 16)
                plsc.store_compressed(outv.at[pl.ds(voff[0], 16)], idx, mask=m)
                pop = plsc.all_reduce_population_count(m)
                return jnp.minimum(voff + pop, _K)

            lax.fori_loop(0, _NP // 16, chunk,
                          jnp.zeros((16,), jnp.int32))
            pltpu.sync_copy(outv.at[pl.ds(0, _K)],
                            nbr_hbm.at[pl.ds(qglob * _K, _K)])

        pltpu.make_async_copy(d2_hbm.at[base], rowA, semA).start()

        @pl.loop(0, _QPT, step=2)
        def _(t):
            pltpu.make_async_copy(d2_hbm.at[base + t + 1], rowB, semB).start()
            pltpu.make_async_copy(d2_hbm.at[base + t], rowA, semA).wait()
            process(t, rowA)

            @pl.when(t + 2 < _QPT)
            def _():
                pltpu.make_async_copy(d2_hbm.at[base + t + 2], rowA, semA).start()

            pltpu.make_async_copy(d2_hbm.at[base + t + 1], rowB, semB).wait()
            process(t + 1, rowB)

    return k(d2_flat, tau_flat, selfg)


def _gather_sc(xp, nbr_flat):
    tot = _NQ * _K
    ipt = tot // _NT
    ch = 256

    @functools.partial(
        pl.kernel,
        mesh=_sc_mesh(),
        out_type=jax.ShapeDtypeStruct((tot, _GD), jnp.float32),
        scratch_types=[
            pltpu.VMEM((ch,), jnp.int32),
            pltpu.VMEM((ch, _GD), jnp.float32),
            pltpu.SemaphoreType.DMA,
        ],
    )
    def k(xp_hbm, idx_hbm, o_hbm, idxv, rows, sem):
        wid = lax.axis_index("s") * 2 + lax.axis_index("c")
        base = wid * ipt

        @pl.loop(0, ipt, step=ch)
        def _(i):
            pltpu.sync_copy(idx_hbm.at[pl.ds(base + i, ch)], idxv)
            pltpu.async_copy(xp_hbm.at[idxv], rows, sem).wait()
            pltpu.sync_copy(rows, o_hbm.at[pl.ds(base + i, ch)])

    return k(xp, nbr_flat)


def _mlp_body(g_ref, q_ref, w1_ref, b1_ref, w2_ref, b2_ref, w3_ref, b3_ref,
              o_ref):
    g = g_ref[...]
    msg = jnp.concatenate([g[:, :_D], g[:, _D:_D + 3] - q_ref[...]], axis=1)
    h = jnp.maximum(
        jnp.dot(msg, w1_ref[...], preferred_element_type=jnp.float32) + b1_ref[...], 0.0)
    h = jnp.maximum(
        jnp.dot(h, w2_ref[...], preferred_element_type=jnp.float32) + b2_ref[...], 0.0)
    h = jnp.maximum(
        jnp.dot(h, w3_ref[...], preferred_element_type=jnp.float32) + b3_ref[...], 0.0)
    for _ in range(6):
        n = h.shape[0] // 2
        hr = h.reshape(n, 2, 128)
        h = jnp.maximum(hr[:, 0, :], hr[:, 1, :])
    o_ref[...] = h


def _mlp_max(g, qrep, W1, b1, W2, b2, W3, b3):
    npairs = g.shape[0]
    QB = 64
    rows = QB * _K
    grid = (npairs // rows,)
    return pl.pallas_call(
        _mlp_body,
        grid=grid,
        in_specs=[
            pl.BlockSpec((rows, _GD), lambda i: (i, 0)),
            pl.BlockSpec((rows, 3), lambda i: (i, 0)),
            pl.BlockSpec((67, 64), lambda i: (0, 0)),
            pl.BlockSpec((1, 64), lambda i: (0, 0)),
            pl.BlockSpec((64, 64), lambda i: (0, 0)),
            pl.BlockSpec((1, 64), lambda i: (0, 0)),
            pl.BlockSpec((64, 128), lambda i: (0, 0)),
            pl.BlockSpec((1, 128), lambda i: (0, 0)),
        ],
        out_specs=pl.BlockSpec((QB, 128), lambda i: (i, 0)),
        out_shape=jax.ShapeDtypeStruct((npairs // _K, 128), jnp.float32),
    )(g, qrep, W1, b1.reshape(1, 64), W2, b2.reshape(1, 64), W3,
      b3.reshape(1, 128))


def kernel(x, pos, batch, W1, b1, W2, b2, W3, b3):
    pos_b = pos.reshape(_B, _NP, 3)
    idx_local, q = _fps_all(pos_b)
    d2, tau = _ballq(pos_b, q)
    idx_global = (idx_local
                  + jnp.arange(_B, dtype=jnp.int32)[:, None] * _NP).reshape(-1)
    nbr = _compact_sc(d2.reshape(_NQ, _NP), tau.reshape(_NQ), idx_global)
    xp = jnp.concatenate(
        [x, pos, jnp.zeros((x.shape[0], _GD - _D - 3), jnp.float32)], axis=1)
    g = _gather_sc(xp, nbr)
    qrep = jnp.repeat(q.reshape(_NQ, 3), _K, axis=0)
    out = _mlp_max(g, qrep, W1, b1, W2, b2, W3, b3)
    x_out = out
    pos_out = q.reshape(_B * _S, 3)
    batch_out = batch[idx_global]
    return (x_out, pos_out, batch_out)

# --- scband reference (transcript-rebuilt; emitter-appended) ---
"""Pipeline reference for scband-samodule-58231166599286 (READ-ONLY COPY).

The authoritative reference and input builder live on the scoring server;
editing this copy changes nothing except your own understanding.
"""

import jax, jax.numpy as jnp
import numpy as np

B = 16
NP = 4096
N = B * NP
S = 512
K = 64
D = 64
R = 0.2

def _fps_single(pos_b):
    d = jnp.sum((pos_b - pos_b[0]) ** 2, axis=-1)
    idxs = jnp.zeros((S,), dtype=jnp.int32)
    def body(i, state):
        d, idxs = state
        nxt = jnp.argmax(d).astype(jnp.int32)
        idxs = idxs.at[i].set(nxt)
        d = jnp.minimum(d, jnp.sum((pos_b - pos_b[nxt]) ** 2, axis=-1))
        return (d, idxs)
    d, idxs = jax.lax.fori_loop(1, S, body, (d, idxs))
    return idxs

def _mlp(h, W1, b1, W2, b2, W3, b3):
    h = jax.nn.relu(h @ W1 + b1)
    h = jax.nn.relu(h @ W2 + b2)
    h = jax.nn.relu(h @ W3 + b3)
    return h

def setup_inputs(seed: int = 0):
    key = jax.random.key(seed)
    ks = jax.random.split(key, 8)
    x = jax.random.normal(ks[0], (N, D), dtype=jnp.float32)
    pos = jax.random.uniform(ks[1], (N, 3), dtype=jnp.float32)
    batch = jnp.repeat(jnp.arange(B, dtype=jnp.int32), NP)
    W1 = jax.random.normal(ks[2], (D + 3, 64), dtype=jnp.float32) * 0.1
    b1 = jnp.zeros((64,), dtype=jnp.float32)
    W2 = jax.random.normal(ks[3], (64, 64), dtype=jnp.float32) * 0.1
    b2 = jnp.zeros((64,), dtype=jnp.float32)
    W3 = jax.random.normal(ks[4], (64, 128), dtype=jnp.float32) * 0.1
    b3 = jnp.zeros((128,), dtype=jnp.float32)
    return {"x": x, "pos": pos, "batch": batch, "W1": W1, "b1": b1, "W2": W2, "b2": b2, "W3": W3, "b3": b3}

def reference(x, pos, batch, W1, b1, W2, b2, W3, b3):
    pos_b = pos.reshape(B, NP, 3)
    x_b = x.reshape(B, NP, D)
    # farthest point sampling per cloud (ratio = sample_points / N -> S per cloud)
    idx_local = jax.vmap(_fps_single)(pos_b)  # [B, S]
    q = jax.vmap(lambda pb, il: pb[il])(pos_b, idx_local)  # [B, S, 3]
    # radius neighborhoods: up to K neighbors within R, same cloud
    d2 = jnp.sum((q[:, :, None, :] - pos_b[:, None, :, :]) ** 2, axis=-1)  # [B, S, NP]
    mask = d2 <= R * R
    score = jnp.where(mask, -d2, -jnp.inf)
    vals, nbr = jax.lax.top_k(score, K)  # [B, S, K]
    valid = vals > -jnp.inf
    # PointNetConv message: nn(cat([x_j, pos_j - pos_i])), max aggregation
    x_nbr = jax.vmap(lambda xb, nb: xb[nb])(x_b, nbr)  # [B, S, K, D]
    pos_nbr = jax.vmap(lambda pb, nb: pb[nb])(pos_b, nbr)  # [B, S, K, 3]
    rel = pos_nbr - q[:, :, None, :]
    msg = jnp.concatenate([x_nbr, rel], axis=-1)  # [B, S, K, D+3]
    h = _mlp(msg, W1, b1, W2, b2, W3, b3)  # [B, S, K, 128]
    h = jnp.where(valid[:, :, :, None], h, -jnp.inf)
    out = jnp.max(h, axis=2)  # [B, S, 128]
    idx_global = (idx_local + jnp.arange(B, dtype=jnp.int32)[:, None] * NP).reshape(-1)
    x_out = out.reshape(B * S, 128)
    pos_out = q.reshape(B * S, 3)
    batch_out = batch[idx_global]
    return (x_out, pos_out, batch_out)

if __name__ == "__main__":
    import jax
    _d = setup_inputs()
    print(jax.jit(kernel)(*tuple(_d.values())))

</pallas_src>

<mosaic_0001>
#map = affine_map<(d0, d1) -> (0, 0)>
#map1 = affine_map<(d0, d1) -> (0)>
module attributes {stable_mosaic.version = 14 : i64} {
  func.func @k(%arg0: i32, %arg1: i32, %arg2: memref<8192x4096xf32, #tpu.memory_space<hbm>>, %arg3: memref<8192xf32, #tpu.memory_space<hbm>>, %arg4: memref<8192xi32, #tpu.memory_space<hbm>>, %arg5: memref<524288xi32, #tpu.memory_space<hbm>>, %arg6: memref<4096xf32, #tpu.memory_space<vmem>>, %arg7: memref<4096xf32, #tpu.memory_space<vmem>>, %arg8: memref<272xf32, #tpu.memory_space<vmem>>, %arg9: memref<272xi32, #tpu.memory_space<vmem>>, %arg10: memref<128xi32, #tpu.memory_space<vmem>>, %arg11: memref<!tpu.dma_semaphore, #tpu.memory_space<semaphore_mem>>, %arg12: memref<!tpu.dma_semaphore, #tpu.memory_space<semaphore_mem>>) attributes {dimension_semantics = [#tpu.dimension_semantics<core_parallel>, #tpu.dimension_semantics<subcore_parallel>], iteration_bounds = array<i64: 2, 16>, scalar_prefetch = 0 : i64, scratch_operands = 7 : i64, tpu.core_type = #tpu.core_type<sc_vector_subcore>, window_params = [{transform_indices = #map}, {transform_indices = #map1}, {transform_indices = #map1}, {transform_indices = #map1}]} {
    %mul3A = arith.constant 2 : i32
    %mul3A_0 = arith.muli %arg1, %mul3A : i32
    %add3A = arith.addi %mul3A_0, %arg0 : i32
    %mul3A_1 = arith.constant 256 : i32
    %mul3A_2 = arith.muli %add3A, %mul3A_1 : i32
    "tpu.region"() ({
      %run_scoped3A = tpu.sem_alloc : memref<!tpu.dma_semaphore, #tpu.memory_space<semaphore_mem>>
      %dma_start3A_12 = arith.constant 0 : i32
      %dma_start3A_13 = tpu.memref_slice %arg8[%dma_start3A_12] : memref<272xf32, #tpu.memory_space<vmem>> -> memref<256xf32, #tpu.memory_space<vmem>>
      %dma_start3A_14 = tpu.memref_slice %arg3[%mul3A_2] : memref<8192xf32, #tpu.memory_space<hbm>> -> memref<256xf32, #tpu.memory_space<hbm>>
      %dma_start3A_15 = arith.constant 0 : i32
      %dma_start3A_16 = tpu.memref_slice %arg8[%dma_start3A_15] : memref<272xf32, #tpu.memory_space<vmem>> -> memref<256xf32, #tpu.memory_space<vmem>>
      %dma_start3A_17 = tpu.memref_slice %arg3[%mul3A_2] : memref<8192xf32, #tpu.memory_space<hbm>> -> memref<256xf32, #tpu.memory_space<hbm>>
      tpu.enqueue_dma source(%dma_start3A_17 : memref<256xf32, #tpu.memory_space<hbm>>) target(%dma_start3A_16 : memref<256xf32, #tpu.memory_space<vmem>>) target_semaphore(%run_scoped3A : memref<!tpu.dma_semaphore, #tpu.memory_space<semaphore_mem>>)
      %dma_wait3A = arith.constant 0 : i32
      %dma_wait3A_18 = tpu.memref_slice %arg8[%dma_wait3A] : memref<272xf32, #tpu.memory_space<vmem>> -> memref<256xf32, #tpu.memory_space<vmem>>
      %dma_wait3A_19 = tpu.memref_slice %arg3[%mul3A_2] : memref<8192xf32, #tpu.memory_space<hbm>> -> memref<256xf32, #tpu.memory_space<hbm>>
      %dma_wait3A_20 = arith.constant 0 : i32
      %dma_wait3A_21 = tpu.memref_slice %arg8[%dma_wait3A_20] : memref<272xf32, #tpu.memory_space<vmem>> -> memref<256xf32, #tpu.memory_space<vmem>>
      %dma_wait3A_22 = tpu.memref_slice %arg3[%mul3A_2] : memref<8192xf32, #tpu.memory_space<hbm>> -> memref<256xf32, #tpu.memory_space<hbm>>
      tpu.wait_dma2 semaphore(%run_scoped3A : memref<!tpu.dma_semaphore, #tpu.memory_space<semaphore_mem>>) src(%dma_wait3A_22 : memref<256xf32, #tpu.memory_space<hbm>>) dst(%dma_wait3A_21 : memref<256xf32, #tpu.memory_space<vmem>>)
      tpu.yield
    }) : () -> ()
    "tpu.region"() ({
      %run_scoped3A = tpu.sem_alloc : memref<!tpu.dma_semaphore, #tpu.memory_space<semaphore_mem>>
      %dma_start3A_12 = arith.constant 0 : i32
      %dma_start3A_13 = tpu.memref_slice %arg9[%dma_start3A_12] : memref<272xi32, #tpu.memory_space<vmem>> -> memref<256xi32, #tpu.memory_space<vmem>>
      %dma_start3A_14 = tpu.memref_slice %arg4[%mul3A_2] : memref<8192xi32, #tpu.memory_space<hbm>> -> memref<256xi32, #tpu.memory_space<hbm>>
      %dma_start3A_15 = arith.constant 0 : i32
      %dma_start3A_16 = tpu.memref_slice %arg9[%dma_start3A_15] : memref<272xi32, #tpu.memory_space<vmem>> -> memref<256xi32, #tpu.memory_space<vmem>>
      %dma_start3A_17 = tpu.memref_slice %arg4[%mul3A_2] : memref<8192xi32, #tpu.memory_space<hbm>> -> memref<256xi32, #tpu.memory_space<hbm>>
      tpu.enqueue_dma source(%dma_start3A_17 : memref<256xi32, #tpu.memory_space<hbm>>) target(%dma_start3A_16 : memref<256xi32, #tpu.memory_space<vmem>>) target_semaphore(%run_scoped3A : memref<!tpu.dma_semaphore, #tpu.memory_space<semaphore_mem>>)
      %dma_wait3A = arith.constant 0 : i32
      %dma_wait3A_18 = tpu.memref_slice %arg9[%dma_wait3A] : memref<272xi32, #tpu.memory_space<vmem>> -> memref<256xi32, #tpu.memory_space<vmem>>
      %dma_wait3A_19 = tpu.memref_slice %arg4[%mul3A_2] : memref<8192xi32, #tpu.memory_space<hbm>> -> memref<256xi32, #tpu.memory_space<hbm>>
      %dma_wait3A_20 = arith.constant 0 : i32
      %dma_wait3A_21 = tpu.memref_slice %arg9[%dma_wait3A_20] : memref<272xi32, #tpu.memory_space<vmem>> -> memref<256xi32, #tpu.memory_space<vmem>>
      %dma_wait3A_22 = tpu.memref_slice %arg4[%mul3A_2] : memref<8192xi32, #tpu.memory_space<hbm>> -> memref<256xi32, #tpu.memory_space<hbm>>
      tpu.wait_dma2 semaphore(%run_scoped3A : memref<!tpu.dma_semaphore, #tpu.memory_space<semaphore_mem>>) src(%dma_wait3A_22 : memref<256xi32, #tpu.memory_space<hbm>>) dst(%dma_wait3A_21 : memref<256xi32, #tpu.memory_space<vmem>>)
      tpu.yield
    }) : () -> ()
    %dma_start3A = arith.constant 0 : i32
    %dma_start3A_3 = tpu.memref_slice %arg2[%mul3A_2, %dma_start3A] : memref<8192x4096xf32, #tpu.memory_space<hbm>> -> memref<1x4096xf32, #tpu.memory_space<hbm>>
    %dma_start3A_4 = tpu.memref_squeeze %dma_start3A_3 : memref<1x4096xf32, #tpu.memory_space<hbm>> -> memref<4096xf32, #tpu.memory_space<hbm>>
    %dma_start3A_5 = arith.constant 0 : i32
    %dma_start3A_6 = tpu.memref_slice %arg2[%mul3A_2, %dma_start3A_5] : memref<8192x4096xf32, #tpu.memory_space<hbm>> -> memref<1x4096xf32, #tpu.memory_space<hbm>>
    %dma_start3A_7 = tpu.memref_squeeze %dma_start3A_6 : memref<1x4096xf32, #tpu.memory_space<hbm>> -> memref<4096xf32, #tpu.memory_space<hbm>>
    tpu.enqueue_dma source(%dma_start3A_7 : memref<4096xf32, #tpu.memory_space<hbm>>) target(%arg6 : memref<4096xf32, #tpu.memory_space<vmem>>) target_semaphore(%arg11 : memref<!tpu.dma_semaphore, #tpu.memory_space<semaphore_mem>>)
    %scan3A = arith.constant 0 : i32
    %scan3A_8 = arith.constant 128 : i32
    %scan3A_9 = arith.addi %scan3A, %scan3A_8 : i32
    %scan3A_10 = arith.constant 1 : i32
    scf.for %scan3A_12 = %scan3A to %scan3A_9 step %scan3A_10  : i32 {
      %mul3A_13 = arith.constant 2 : i32
      %mul3A_14 = arith.muli %scan3A_12, %mul3A_13 : i32
      %add3A_15 = arith.constant 0 : i32
      %add3A_16 = arith.addi %add3A_15, %mul3A_14 : i32
      %add3A_17 = arith.addi %mul3A_2, %add3A_16 : i32
      %add3A_18 = arith.constant 1 : i32
      %add3A_19 = arith.addi %add3A_17, %add3A_18 : i32
      %dma_start3A_20 = arith.constant 0 : i32
      %dma_start3A_21 = tpu.memref_slice %arg2[%add3A_19, %dma_start3A_20] : memref<8192x4096xf32, #tpu.memory_space<hbm>> -> memref<1x4096xf32, #tpu.memory_space<hbm>>
      %dma_start3A_22 = tpu.memref_squeeze %dma_start3A_21 : memref<1x4096xf32, #tpu.memory_space<hbm>> -> memref<4096xf32, #tpu.memory_space<hbm>>
      %dma_start3A_23 = arith.constant 0 : i32
      %dma_start3A_24 = tpu.memref_slice %arg2[%add3A_19, %dma_start3A_23] : memref<8192x4096xf32, #tpu.memory_space<hbm>> -> memref<1x4096xf32, #tpu.memory_space<hbm>>
      %dma_start3A_25 = tpu.memref_squeeze %dma_start3A_24 : memref<1x4096xf32, #tpu.memory_space<hbm>> -> memref<4096xf32, #tpu.memory_space<hbm>>
      tpu.enqueue_dma source(%dma_start3A_25 : memref<4096xf32, #tpu.memory_space<hbm>>) target(%arg7 : memref<4096xf32, #tpu.memory_space<vmem>>) target_semaphore(%arg12 : memref<!tpu.dma_semaphore, #tpu.memory_space<semaphore_mem>>)
      %add3A_26 = arith.addi %mul3A_2, %add3A_16 : i32
      %dma_wait3A = arith.constant 0 : i32
      %dma_wait3A_27 = tpu.memref_slice %arg2[%add3A_26, %dma_wait3A] : memref<8192x4096xf32, #tpu.memory_space<hbm>> -> memref<1x4096xf32, #tpu.memory_space<hbm>>
      %dma_wait3A_28 = tpu.memref_squeeze %dma_wait3A_27 : memref<1x4096xf32, #tpu.memory_space<hbm>> -> memref<4096xf32, #tpu.memory_space<hbm>>
      %dma_wait3A_29 = arith.constant 0 : i32
      %dma_wait3A_30 = tpu.memref_slice %arg2[%add3A_26, %dma_wait3A_29] : memref<8192x4096xf32, #tpu.memory_space<hbm>> -> memref<1x4096xf32, #tpu.memory_space<hbm>>
      %dma_wait3A_31 = tpu.memref_squeeze %dma_wait3A_30 : memref<1x4096xf32, #tpu.memory_space<hbm>> -> memref<4096xf32, #tpu.memory_space<hbm>>
      tpu.wait_dma2 semaphore(%arg11 : memref<!tpu.dma_semaphore, #tpu.memory_space<semaphore_mem>>) src(%dma_wait3A_31 : memref<4096xf32, #tpu.memory_space<hbm>>) dst(%arg6 : memref<4096xf32, #tpu.memory_space<vmem>>)
      %add3A_32 = arith.addi %mul3A_2, %add3A_16 : i32
      %get3A = arith.index_cast %add3A_16 : i32 to index
      %get3A_33 = tpu.vector_load %arg8[%get3A] {strides = array<i32>} : memref<272xf32, #tpu.memory_space<vmem>>, vector<16xf32>,
      %slice3A = vector.extract_strided_slice %get3A_33 {offsets = [0], sizes = [1], strides = [1]} : vector<16xf32> to vector<1xf32>
      %squeeze3A = vector.extract %slice3A[0] : f32 from vector<1xf32>
      %get3A_34 = arith.index_cast %add3A_16 : i32 to index
      %get3A_35 = tpu.vector_load %arg9[%get3A_34] {strides = array<i32>} : memref<272xi32, #tpu.memory_space<vmem>>, vector<16xi32>,
      %slice3A_36 = vector.extract_strided_slice %get3A_35 {offsets = [0], sizes = [1], strides = [1]} : vector<16xi32> to vector<1xi32>
      %squeeze3A_37 = vector.extract %slice3A_36[0] : i32 from vector<1xi32>
      %jit3A = arith.constant 512 : i32
      %div3A = arith.divsi %add3A_32, %jit3A : i32
      %sign3A = arith.constant 0 : i32
      %sign3A_38 = arith.cmpi sgt, %add3A_32, %sign3A : i32
      %sign3A_39 = arith.extui %sign3A_38 : i1 to i32
      %sign3A_40 = arith.constant 0 : i32
      %sign3A_41 = arith.cmpi slt, %add3A_32, %sign3A_40 : i32
      %sign3A_42 = arith.extui %sign3A_41 : i1 to i32
      %sign3A_43 = arith.subi %sign3A_39, %sign3A_42 : i32
      %sign3A_44 = arith.constant 0 : i32
      %sign3A_45 = arith.cmpi sgt, %jit3A, %sign3A_44 : i32
      %sign3A_46 = arith.extui %sign3A_45 : i1 to i32
      %sign3A_47 = arith.constant 0 : i32
      %sign3A_48 = arith.cmpi slt, %jit3A, %sign3A_47 : i32
      %sign3A_49 = arith.extui %sign3A_48 : i1 to i32
      %sign3A_50 = arith.subi %sign3A_46, %sign3A_49 : i32
      %ne3A = arith.cmpi ne, %sign3A_43, %sign3A_50 : i32
      %rem3A = arith.remsi %add3A_32, %jit3A : i32
      %ne3A_51 = arith.constant 0 : i32
      %ne3A_52 = arith.cmpi ne, %rem3A, %ne3A_51 : i32
      %and3A = arith.andi %ne3A, %ne3A_52 : i1
      %sub3A = arith.constant 1 : i32
      %sub3A_53 = arith.subi %div3A, %sub3A : i32
      %select_n3A = arith.select %and3A, %sub3A_53, %div3A : i32
      %mul3A_54 = arith.constant 4096 : i32
      %mul3A_55 = arith.muli %select_n3A, %mul3A_54 : i32
      %broadcast_in_dim3A = vector.broadcast %squeeze3A_37 : i32 to vector<16xi32>
      %swap3A = arith.constant 0 : index
      %swap3A_56 = tpu.vector_load %arg10[%swap3A] {strides = array<i32>} : memref<128xi32, #tpu.memory_space<vmem>>, vector<16xi32>,
      tpu.vector_store %arg10[%swap3A], %broadcast_in_dim3A {strides = array<i32>} : memref<128xi32, #tpu.memory_space<vmem>>, vector<16xi32>,
      %swap3A_57 = arith.constant 16 : index
      %swap3A_58 = tpu.vector_load %arg10[%swap3A_57] {strides = array<i32>} : memref<128xi32, #tpu.memory_space<vmem>>, vector<16xi32>,
      tpu.vector_store %arg10[%swap3A_57], %broadcast_in_dim3A {strides = array<i32>} : memref<128xi32, #tpu.memory_space<vmem>>, vector<16xi32>,
      %swap3A_59 = arith.constant 32 : index
      %swap3A_60 = tpu.vector_load %arg10[%swap3A_59] {strides = array<i32>} : memref<128xi32, #tpu.memory_space<vmem>>, vector<16xi32>,
      tpu.vector_store %arg10[%swap3A_59], %broadcast_in_dim3A {strides = array<i32>} : memref<128xi32, #tpu.memory_space<vmem>>, vector<16xi32>,
      %swap3A_61 = arith.constant 48 : index
      %swap3A_62 = tpu.vector_load %arg10[%swap3A_61] {strides = array<i32>} : memref<128xi32, #tpu.memory_space<vmem>>, vector<16xi32>,
      tpu.vector_store %arg10[%swap3A_61], %broadcast_in_dim3A {strides = array<i32>} : memref<128xi32, #tpu.memory_space<vmem>>, vector<16xi32>,
      %swap3A_63 = arith.constant 64 : index
      %swap3A_64 = tpu.vector_load %arg10[%swap3A_63] {strides = array<i32>} : memref<128xi32, #tpu.memory_space<vmem>>, vector<16xi32>,
      tpu.vector_store %arg10[%swap3A_63], %broadcast_in_dim3A {strides = array<i32>} : memref<128xi32, #tpu.memory_space<vmem>>, vector<16xi32>,
      %broadcast_in_dim3A_65 = vector.broadcast %squeeze3A : f32 to vector<16xf32>
      %iota3A = tpu.iota {dimensions = array<i32: 0>} : vector<16xi32>
      %broadcast_in_dim3A_66 = arith.constant 0 : i32
      %broadcast_in_dim3A_67 = vector.broadcast %broadcast_in_dim3A_66 : i32 to vector<16xi32>
      %scan3A_68 = arith.constant 0 : i32
      %scan3A_69 = arith.constant 256 : i32
      %scan3A_70 = arith.addi %scan3A_68, %scan3A_69 : i32
      %scan3A_71 = arith.constant 1 : i32
      %scan3A_72 = scf.for %scan3A_149 = %scan3A_68 to %scan3A_70 step %scan3A_71 iter_args(%scan3A_150 = %broadcast_in_dim3A_67) -> (vector<16xi32>)  : i32 {
        %mul3A_151 = arith.constant 16 : i32
        %mul3A_152 = arith.muli %scan3A_149, %mul3A_151 : i32
        %get3A_153 = arith.index_cast %mul3A_152 : i32 to index
        %get3A_154 = tpu.vector_load %arg6[%get3A_153] {strides = array<i32>} : memref<4096xf32, #tpu.memory_space<vmem>>, vector<16xf32>,
        %le3A = arith.cmpf ole, %get3A_154, %broadcast_in_dim3A_65 : vector<16xf32>
        %mul3A_155 = arith.constant 16 : i32
        %mul3A_156 = arith.muli %scan3A_149, %mul3A_155 : i32
        %add3A_157 = arith.addi %mul3A_55, %mul3A_156 : i32
        %add3A_158 = vector.broadcast %add3A_157 : i32 to vector<16xi32>
        %add3A_159 = arith.addi %iota3A, %add3A_158 : vector<16xi32>
        %slice3A_160 = vector.extract_strided_slice %scan3A_150 {offsets = [0], sizes = [1], strides = [1]} : vector<16xi32> to vector<1xi32>
        %squeeze3A_161 = vector.extract %slice3A_160[0] : i32 from vector<1xi32>
        %swap3A_162 = arith.index_cast %squeeze3A_161 : i32 to index
        %swap3A_163 = tpu.vector_load %arg10[%swap3A_162] masked %le3A {strides = array<i32>} : memref<128xi32, #tpu.memory_space<vmem>>, vector<16xi32>, vector<16xi1>
        tpu.vector_store %arg10[%swap3A_162], %add3A_159 masked %le3A {strides = array<i32>} : memref<128xi32, #tpu.memory_space<vmem>>, vector<16xi32>, vector<16xi1>
        %all_reduce_population_count3A = tpu.all_reduce %le3A {dim = 0 : i64, kind = #tpu.reduction_kind<sum>} : vector<16xi1> -> vector<16xi32>
        %add3A_164 = arith.addi %scan3A_150, %all_reduce_population_count3A : vector<16xi32>
        %min3A = arith.constant 64 : i32
        %min3A_165 = vector.broadcast %min3A : i32 to vector<16xi32>
        %min3A_166 = arith.minsi %add3A_164, %min3A_165 : vector<16xi32>
        scf.yield %min3A_166 : vector<16xi32>
      }
      %scan3A_73 = arith.constant 256 : i32
      %mul3A_74 = arith.constant 64 : i32
      %mul3A_75 = arith.muli %add3A_32, %mul3A_74 : i32
      "tpu.region"() ({
        %run_scoped3A = tpu.sem_alloc : memref<!tpu.dma_semaphore, #tpu.memory_space<semaphore_mem>>
        %dma_start3A_149 = arith.constant 0 : i32
        %dma_start3A_150 = tpu.memref_slice %arg10[%dma_start3A_149] : memref<128xi32, #tpu.memory_space<vmem>> -> memref<64xi32, #tpu.memory_space<vmem>>
        %dma_start3A_151 = tpu.memref_slice %arg5[%mul3A_75] : memref<524288xi32, #tpu.memory_space<hbm>> -> memref<64xi32, #tpu.memory_space<hbm>>
        %dma_start3A_152 = tpu.memref_slice %arg5[%mul3A_75] : memref<524288xi32, #tpu.memory_space<hbm>> -> memref<64xi32, #tpu.memory_space<hbm>>
        %dma_start3A_153 = arith.constant 0 : i32
        %dma_start3A_154 = tpu.memref_slice %arg10[%dma_start3A_153] : memref<128xi32, #tpu.memory_space<vmem>> -> memref<64xi32, #tpu.memory_space<vmem>>
        tpu.enqueue_dma source(%dma_start3A_154 : memref<64xi32, #tpu.memory_space<vmem>>) target(%dma_start3A_152 : memref<64xi32, #tpu.memory_space<hbm>>) target_semaphore(%run_scoped3A : memref<!tpu.dma_semaphore, #tpu.memory_space<semaphore_mem>>)
        %dma_wait3A_155 = arith.constant 0 : i32
        %dma_wait3A_156 = tpu.memref_slice %arg10[%dma_wait3A_155] : memref<128xi32, #tpu.memory_space<vmem>> -> memref<64xi32, #tpu.memory_space<vmem>>
        %dma_wait3A_157 = tpu.memref_slice %arg5[%mul3A_75] : memref<524288xi32, #tpu.memory_space<hbm>> -> memref<64xi32, #tpu.memory_space<hbm>>
        %dma_wait3A_158 = tpu.memref_slice %arg5[%mul3A_75] : memref<524288xi32, #tpu.memory_space<hbm>> -> memref<64xi32, #tpu.memory_space<hbm>>
        %dma_wait3A_159 = arith.constant 0 : i32
        %dma_wait3A_160 = tpu.memref_slice %arg10[%dma_wait3A_159] : memref<128xi32, #tpu.memory_space<vmem>> -> memref<64xi32, #tpu.memory_space<vmem>>
        tpu.wait_dma2 semaphore(%run_scoped3A : memref<!tpu.dma_semaphore, #tpu.memory_space<semaphore_mem>>) src(%dma_wait3A_160 : memref<64xi32, #tpu.memory_space<vmem>>) dst(%dma_wait3A_158 : memref<64xi32, #tpu.memory_space<hbm>>)
        tpu.yield
      }) : () -> ()
      %add3A_76 = arith.constant 2 : i32
      %add3A_77 = arith.addi %add3A_16, %add3A_76 : i32
      %lt3A = arith.constant 256 : i32
      %lt3A_78 = arith.cmpi slt, %add3A_77, %lt3A : i32
      %convert_element_type3A = arith.extui %lt3A_78 : i1 to i32
      %cond3A = arith.constant 0 : i32
      %cond3A_79 = arith.cmpi ne, %convert_element_type3A, %cond3A : i32
      scf.if %cond3A_79 {
        %add3A_149 = arith.addi %mul3A_2, %add3A_16 : i32
        %add3A_150 = arith.constant 2 : i32
        %add3A_151 = arith.addi %add3A_149, %add3A_150 : i32
        %dma_start3A_152 = arith.constant 0 : i32
        %dma_start3A_153 = tpu.memref_slice %arg2[%add3A_151, %dma_start3A_152] : memref<8192x4096xf32, #tpu.memory_space<hbm>> -> memref<1x4096xf32, #tpu.memory_space<hbm>>
        %dma_start3A_154 = tpu.memref_squeeze %dma_start3A_153 : memref<1x4096xf32, #tpu.memory_space<hbm>> -> memref<4096xf32, #tpu.memory_space<hbm>>
        %dma_start3A_155 = arith.constant 0 : i32
        %dma_start3A_156 = tpu.memref_slice %arg2[%add3A_151, %dma_start3A_155] : memref<8192x4096xf32, #tpu.memory_space<hbm>> -> memref<1x4096xf32, #tpu.memory_space<hbm>>
        %dma_start3A_157 = tpu.memref_squeeze %dma_start3A_156 : memref<1x4096xf32, #tpu.memory_space<hbm>> -> memref<4096xf32, #tpu.memory_space<hbm>>
        tpu.enqueue_dma source(%dma_start3A_157 : memref<4096xf32, #tpu.memory_space<hbm>>) target(%arg6 : memref<4096xf32, #tpu.memory_space<vmem>>) target_semaphore(%arg11 : memref<!tpu.dma_semaphore, #tpu.memory_space<semaphore_mem>>)
      } else {
      }
      %add3A_80 = arith.addi %mul3A_2, %add3A_16 : i32
      %add3A_81 = arith.constant 1 : i32
      %add3A_82 = arith.addi %add3A_80, %add3A_81 : i32
      %dma_wait3A_83 = arith.constant 0 : i32
      %dma_wait3A_84 = tpu.memref_slice %arg2[%add3A_82, %dma_wait3A_83] : memref<8192x4096xf32, #tpu.memory_space<hbm>> -> memref<1x4096xf32, #tpu.memory_space<hbm>>
      %dma_wait3A_85 = tpu.memref_squeeze %dma_wait3A_84 : memref<1x4096xf32, #tpu.memory_space<hbm>> -> memref<4096xf32, #tpu.memory_space<hbm>>
      %dma_wait3A_86 = arith.constant 0 : i32
      %dma_wait3A_87 = tpu.memref_slice %arg2[%add3A_82, %dma_wait3A_86] : memref<8192x4096xf32, #tpu.memory_space<hbm>> -> memref<1x4096xf32, #tpu.memory_space<hbm>>
      %dma_wait3A_88 = tpu.memref_squeeze %dma_wait3A_87 : memref<1x4096xf32, #tpu.memory_space<hbm>> -> memref<4096xf32, #tpu.memory_space<hbm>>
      tpu.wait_dma2 semaphore(%arg12 : memref<!tpu.dma_semaphore, #tpu.memory_space<semaphore_mem>>) src(%dma_wait3A_88 : memref<4096xf32, #tpu.memory_space<hbm>>) dst(%arg7 : memref<4096xf32, #tpu.memory_space<vmem>>)
      %add3A_89 = arith.constant 1 : i32
      %add3A_90 = arith.addi %add3A_16, %add3A_89 : i32
      %add3A_91 = arith.addi %mul3A_2, %add3A_90 : i32
      %get3A_92 = arith.index_cast %add3A_90 : i32 to index
      %get3A_93 = tpu.vector_load %arg8[%get3A_92] {strides = array<i32>} : memref<272xf32, #tpu.memory_space<vmem>>, vector<16xf32>,
      %slice3A_94 = vector.extract_strided_slice %get3A_93 {offsets = [0], sizes = [1], strides = [1]} : vector<16xf32> to vector<1xf32>
      %squeeze3A_95 = vector.extract %slice3A_94[0] : f32 from vector<1xf32>
      %get3A_96 = arith.index_cast %add3A_90 : i32 to index
      %get3A_97 = tpu.vector_load %arg9[%get3A_96] {strides = array<i32>} : memref<272xi32, #tpu.memory_space<vmem>>, vector<16xi32>,
      %slice3A_98 = vector.extract_strided_slice %get3A_97 {offsets = [0], sizes = [1], strides = [1]} : vector<16xi32> to vector<1xi32>
      %squeeze3A_99 = vector.extract %slice3A_98[0] : i32 from vector<1xi32>
      %jit3A_100 = arith.constant 512 : i32
      %div3A_101 = arith.divsi %add3A_91, %jit3A_100 : i32
      %sign3A_102 = arith.constant 0 : i32
      %sign3A_103 = arith.cmpi sgt, %add3A_91, %sign3A_102 : i32
      %sign3A_104 = arith.extui %sign3A_103 : i1 to i32
      %sign3A_105 = arith.constant 0 : i32
      %sign3A_106 = arith.cmpi slt, %add3A_91, %sign3A_105 : i32
      %sign3A_107 = arith.extui %sign3A_106 : i1 to i32
      %sign3A_108 = arith.subi %sign3A_104, %sign3A_107 : i32
      %sign3A_109 = arith.constant 0 : i32
      %sign3A_110 = arith.cmpi sgt, %jit3A_100, %sign3A_109 : i32
      %sign3A_111 = arith.extui %sign3A_110 : i1 to i32
      %sign3A_112 = arith.constant 0 : i32
      %sign3A_113 = arith.cmpi slt, %jit3A_100, %sign3A_112 : i32
      %sign3A_114 = arith.extui %sign3A_113 : i1 to i32
      %sign3A_115 = arith.subi %sign3A_111, %sign3A_114 : i32
      %ne3A_116 = arith.cmpi ne, %sign3A_108, %sign3A_115 : i32
      %rem3A_117 = arith.remsi %add3A_91, %jit3A_100 : i32
      %ne3A_118 = arith.constant 0 : i32
      %ne3A_119 = arith.cmpi ne, %rem3A_117, %ne3A_118 : i32
      %and3A_120 = arith.andi %ne3A_116, %ne3A_119 : i1
      %sub3A_121 = arith.constant 1 : i32
      %sub3A_122 = arith.subi %div3A_101, %sub3A_121 : i32
      %select_n3A_123 = arith.select %and3A_120, %sub3A_122, %div3A_101 : i32
      %mul3A_124 = arith.constant 4096 : i32
      %mul3A_125 = arith.muli %select_n3A_123, %mul3A_124 : i32
      %broadcast_in_dim3A_126 = vector.broadcast %squeeze3A_99 : i32 to vector<16xi32>
      %swap3A_127 = arith.constant 0 : index
      %swap3A_128 = tpu.vector_load %arg10[%swap3A_127] {strides = array<i32>} : memref<128xi32, #tpu.memory_space<vmem>>, vector<16xi32>,
      tpu.vector_store %arg10[%swap3A_127], %broadcast_in_dim3A_126 {strides = array<i32>} : memref<128xi32, #tpu.memory_space<vmem>>, vector<16xi32>,
      %swap3A_129 = arith.constant 16 : index
      %swap3A_130 = tpu.vector_load %arg10[%swap3A_129] {strides = array<i32>} : memref<128xi32, #tpu.memory_space<vmem>>, vector<16xi32>,
      tpu.vector_store %arg10[%swap3A_129], %broadcast_in_dim3A_126 {strides = array<i32>} : memref<128xi32, #tpu.memory_space<vmem>>, vector<16xi32>,
      %swap3A_131 = arith.constant 32 : index
      %swap3A_132 = tpu.vector_load %arg10[%swap3A_131] {strides = array<i32>} : memref<128xi32, #tpu.memory_space<vmem>>, vector<16xi32>,
      tpu.vector_store %arg10[%swap3A_131], %broadcast_in_dim3A_126 {strides = array<i32>} : memref<128xi32, #tpu.memory_space<vmem>>, vector<16xi32>,
      %swap3A_133 = arith.constant 48 : index
      %swap3A_134 = tpu.vector_load %arg10[%swap3A_133] {strides = array<i32>} : memref<128xi32, #tpu.memory_space<vmem>>, vector<16xi32>,
      tpu.vector_store %arg10[%swap3A_133], %broadcast_in_dim3A_126 {strides = array<i32>} : memref<128xi32, #tpu.memory_space<vmem>>, vector<16xi32>,
      %swap3A_135 = arith.constant 64 : index
      %swap3A_136 = tpu.vector_load %arg10[%swap3A_135] {strides = array<i32>} : memref<128xi32, #tpu.memory_space<vmem>>, vector<16xi32>,
      tpu.vector_store %arg10[%swap3A_135], %broadcast_in_dim3A_126 {strides = array<i32>} : memref<128xi32, #tpu.memory_space<vmem>>, vector<16xi32>,
      %broadcast_in_dim3A_137 = vector.broadcast %squeeze3A_95 : f32 to vector<16xf32>
      %iota3A_138 = tpu.iota {dimensions = array<i32: 0>} : vector<16xi32>
      %broadcast_in_dim3A_139 = arith.constant 0 : i32
      %broadcast_in_dim3A_140 = vector.broadcast %broadcast_in_dim3A_139 : i32 to vector<16xi32>
      %scan3A_141 = arith.constant 0 : i32
      %scan3A_142 = arith.constant 256 : i32
      %scan3A_143 = arith.addi %scan3A_141, %scan3A_142 : i32
      %scan3A_144 = arith.constant 1 : i32
      %scan3A_145 = scf.for %scan3A_149 = %scan3A_141 to %scan3A_143 step %scan3A_144 iter_args(%scan3A_150 = %broadcast_in_dim3A_140) -> (vector<16xi32>)  : i32 {
        %mul3A_151 = arith.constant 16 : i32
        %mul3A_152 = arith.muli %scan3A_149, %mul3A_151 : i32
        %get3A_153 = arith.index_cast %mul3A_152 : i32 to index
        %get3A_154 = tpu.vector_load %arg7[%get3A_153] {strides = array<i32>} : memref<4096xf32, #tpu.memory_space<vmem>>, vector<16xf32>,
        %le3A = arith.cmpf ole, %get3A_154, %broadcast_in_dim3A_137 : vector<16xf32>
        %mul3A_155 = arith.constant 16 : i32
        %mul3A_156 = arith.muli %scan3A_149, %mul3A_155 : i32
        %add3A_157 = arith.addi %mul3A_125, %mul3A_156 : i32
        %add3A_158 = vector.broadcast %add3A_157 : i32 to vector<16xi32>
        %add3A_159 = arith.addi %iota3A_138, %add3A_158 : vector<16xi32>
        %slice3A_160 = vector.extract_strided_slice %scan3A_150 {offsets = [0], sizes = [1], strides = [1]} : vector<16xi32> to vector<1xi32>
        %squeeze3A_161 = vector.extract %slice3A_160[0] : i32 from vector<1xi32>
        %swap3A_162 = arith.index_cast %squeeze3A_161 : i32 to index
        %swap3A_163 = tpu.vector_load %arg10[%swap3A_162] masked %le3A {strides = array<i32>} : memref<128xi32, #tpu.memory_space<vmem>>, vector<16xi32>, vector<16xi1>
        tpu.vector_store %arg10[%swap3A_162], %add3A_159 masked %le3A {strides = array<i32>} : memref<128xi32, #tpu.memory_space<vmem>>, vector<16xi32>, vector<16xi1>
        %all_reduce_population_count3A = tpu.all_reduce %le3A {dim = 0 : i64, kind = #tpu.reduction_kind<sum>} : vector<16xi1> -> vector<16xi32>
        %add3A_164 = arith.addi %scan3A_150, %all_reduce_population_count3A : vector<16xi32>
        %min3A = arith.constant 64 : i32
        %min3A_165 = vector.broadcast %min3A : i32 to vector<16xi32>
        %min3A_166 = arith.minsi %add3A_164, %min3A_165 : vector<16xi32>
        scf.yield %min3A_166 : vector<16xi32>
      }
      %scan3A_146 = arith.constant 256 : i32
      %mul3A_147 = arith.constant 64 : i32
      %mul3A_148 = arith.muli %add3A_91, %mul3A_147 : i32
      "tpu.region"() ({
        %run_scoped3A = tpu.sem_alloc : memref<!tpu.dma_semaphore, #tpu.memory_space<semaphore_mem>>
        %dma_start3A_149 = arith.constant 0 : i32
        %dma_start3A_150 = tpu.memref_slice %arg10[%dma_start3A_149] : memref<128xi32, #tpu.memory_space<vmem>> -> memref<64xi32, #tpu.memory_space<vmem>>
        %dma_start3A_151 = tpu.memref_slice %arg5[%mul3A_148] : memref<524288xi32, #tpu.memory_space<hbm>> -> memref<64xi32, #tpu.memory_space<hbm>>
        %dma_start3A_152 = tpu.memref_slice %arg5[%mul3A_148] : memref<524288xi32, #tpu.memory_space<hbm>> -> memref<64xi32, #tpu.memory_space<hbm>>
        %dma_start3A_153 = arith.constant 0 : i32
        %dma_start3A_154 = tpu.memref_slice %arg10[%dma_start3A_153] : memref<128xi32, #tpu.memory_space<vmem>> -> memref<64xi32, #tpu.memory_space<vmem>>
        tpu.enqueue_dma source(%dma_start3A_154 : memref<64xi32, #tpu.memory_space<vmem>>) target(%dma_start3A_152 : memref<64xi32, #tpu.memory_space<hbm>>) target_semaphore(%run_scoped3A : memref<!tpu.dma_semaphore, #tpu.memory_space<semaphore_mem>>)
        %dma_wait3A_155 = arith.constant 0 : i32
        %dma_wait3A_156 = tpu.memref_slice %arg10[%dma_wait3A_155] : memref<128xi32, #tpu.memory_space<vmem>> -> memref<64xi32, #tpu.memory_space<vmem>>
        %dma_wait3A_157 = tpu.memref_slice %arg5[%mul3A_148] : memref<524288xi32, #tpu.memory_space<hbm>> -> memref<64xi32, #tpu.memory_space<hbm>>
        %dma_wait3A_158 = tpu.memref_slice %arg5[%mul3A_148] : memref<524288xi32, #tpu.memory_space<hbm>> -> memref<64xi32, #tpu.memory_space<hbm>>
        %dma_wait3A_159 = arith.constant 0 : i32
        %dma_wait3A_160 = tpu.memref_slice %arg10[%dma_wait3A_159] : memref<128xi32, #tpu.memory_space<vmem>> -> memref<64xi32, #tpu.memory_space<vmem>>
        tpu.wait_dma2 semaphore(%run_scoped3A : memref<!tpu.dma_semaphore, #tpu.memory_space<semaphore_mem>>) src(%dma_wait3A_160 : memref<64xi32, #tpu.memory_space<vmem>>) dst(%dma_wait3A_158 : memref<64xi32, #tpu.memory_space<hbm>>)
        tpu.yield
      }) : () -> ()
    }
    %scan3A_11 = arith.constant 128 : i32
    return
  }
}

#map = affine_map<(d0, d1) -> (0, 0)>
#map1 = affine_map<(d0, d1) -> (0)>
module attributes {stable_mosaic.version = 14 : i64} {
  func.func @k(%arg0: i32, %arg1: i32, %arg2: memref<65536x128xf32, #tpu.memory_space<hbm>>, %arg3: memref<524288xi32, #tpu.memory_space<hbm>>, %arg4: memref<524288x128xf32, #tpu.memory_space<hbm>>, %arg5: memref<256xi32, #tpu.memory_space<vmem>>, %arg6: memref<256x128xf32, #tpu.memory_space<vmem>>, %arg7: memref<!tpu.dma_semaphore, #tpu.memory_space<semaphore_mem>>) attributes {dimension_semantics = [#tpu.dimension_semantics<core_parallel>, #tpu.dimension_semantics<subcore_parallel>], iteration_bounds = array<i64: 2, 16>, scalar_prefetch = 0 : i64, scratch_operands = 3 : i64, tpu.core_type = #tpu.core_type<sc_vector_subcore>, window_params = [{transform_indices = #map}, {transform_indices = #map1}, {transform_indices = #map}]} {
    %mul3A = arith.constant 2 : i32
    %mul3A_0 = arith.muli %arg1, %mul3A : i32
    %add3A = arith.addi %mul3A_0, %arg0 : i32
    %mul3A_1 = arith.constant 16384 : i32
    %mul3A_2 = arith.muli %add3A, %mul3A_1 : i32
    %scan3A = arith.constant 0 : i32
    %scan3A_3 = arith.constant 64 : i32
    %scan3A_4 = arith.addi %scan3A, %scan3A_3 : i32
    %scan3A_5 = arith.constant 1 : i32
    scf.for %scan3A_7 = %scan3A to %scan3A_4 step %scan3A_5  : i32 {
      %mul3A_8 = arith.constant 256 : i32
      %mul3A_9 = arith.muli %scan3A_7, %mul3A_8 : i32
      %add3A_10 = arith.constant 0 : i32
      %add3A_11 = arith.addi %add3A_10, %mul3A_9 : i32
      %add3A_12 = arith.addi %mul3A_2, %add3A_11 : i32
      "tpu.region"() ({
        %run_scoped3A = tpu.sem_alloc : memref<!tpu.dma_semaphore, #tpu.memory_space<semaphore_mem>>
        %dma_start3A_18 = tpu.memref_slice %arg3[%add3A_12] : memref<524288xi32, #tpu.memory_space<hbm>> -> memref<256xi32, #tpu.memory_space<hbm>>
        %dma_start3A_19 = tpu.memref_slice %arg3[%add3A_12] : memref<524288xi32, #tpu.memory_space<hbm>> -> memref<256xi32, #tpu.memory_space<hbm>>
        tpu.enqueue_dma source(%dma_start3A_19 : memref<256xi32, #tpu.memory_space<hbm>>) target(%arg5 : memref<256xi32, #tpu.memory_space<vmem>>) target_semaphore(%run_scoped3A : memref<!tpu.dma_semaphore, #tpu.memory_space<semaphore_mem>>)
        %dma_wait3A_20 = tpu.memref_slice %arg3[%add3A_12] : memref<524288xi32, #tpu.memory_space<hbm>> -> memref<256xi32, #tpu.memory_space<hbm>>
        %dma_wait3A_21 = tpu.memref_slice %arg3[%add3A_12] : memref<524288xi32, #tpu.memory_space<hbm>> -> memref<256xi32, #tpu.memory_space<hbm>>
        tpu.wait_dma2 semaphore(%run_scoped3A : memref<!tpu.dma_semaphore, #tpu.memory_space<semaphore_mem>>) src(%dma_wait3A_21 : memref<256xi32, #tpu.memory_space<hbm>>) dst(%arg5 : memref<256xi32, #tpu.memory_space<vmem>>)
        tpu.yield
      }) : () -> ()
      %dma_start3A = arith.constant 0 : i32
      %dma_start3A_13 = arith.constant 0 : i32
      %dma_start3A_14 = tpu.memref_slice %arg2[%dma_start3A, %dma_start3A_13] : memref<65536x128xf32, #tpu.memory_space<hbm>> -> memref<65536x128xf32, #tpu.memory_space<hbm>>
      tpu.enqueue_indirect_dma source(%dma_start3A_14 : memref<65536x128xf32, #tpu.memory_space<hbm>>) target(%arg6 : memref<256x128xf32, #tpu.memory_space<vmem>>) offsets(%arg5 : memref<256xi32, #tpu.memory_space<vmem>>) semaphore(%arg7 : memref<!tpu.dma_semaphore, #tpu.memory_space<semaphore_mem>>)
      %dma_wait3A = arith.constant 0 : i32
      %dma_wait3A_15 = arith.constant 0 : i32
      %dma_wait3A_16 = tpu.memref_slice %arg2[%dma_wait3A, %dma_wait3A_15] : memref<65536x128xf32, #tpu.memory_space<hbm>> -> memref<65536x128xf32, #tpu.memory_space<hbm>>
      tpu.wait_indirect_dma semaphore(%arg7 : memref<!tpu.dma_semaphore, #tpu.memory_space<semaphore_mem>>) src(%dma_wait3A_16 : memref<65536x128xf32, #tpu.memory_space<hbm>>) dst(%arg6 : memref<256x128xf32, #tpu.memory_space<vmem>>)
      %add3A_17 = arith.addi %mul3A_2, %add3A_11 : i32
      "tpu.region"() ({
        %run_scoped3A = tpu.sem_alloc : memref<!tpu.dma_semaphore, #tpu.memory_space<semaphore_mem>>
        %dma_start3A_18 = arith.constant 0 : i32
        %dma_start3A_19 = tpu.memref_slice %arg4[%add3A_17, %dma_start3A_18] : memref<524288x128xf32, #tpu.memory_space<hbm>> -> memref<256x128xf32, #tpu.memory_space<hbm>>
        %dma_start3A_20 = arith.constant 0 : i32
        %dma_start3A_21 = tpu.memref_slice %arg4[%add3A_17, %dma_start3A_20] : memref<524288x128xf32, #tpu.memory_space<hbm>> -> memref<256x128xf32, #tpu.memory_space<hbm>>
        tpu.enqueue_dma source(%arg6 : memref<256x128xf32, #tpu.memory_space<vmem>>) target(%dma_start3A_21 : memref<256x128xf32, #tpu.memory_space<hbm>>) target_semaphore(%run_scoped3A : memref<!tpu.dma_semaphore, #tpu.memory_space<semaphore_mem>>)
        %dma_wait3A_22 = arith.constant 0 : i32
        %dma_wait3A_23 = tpu.memref_slice %arg4[%add3A_17, %dma_wait3A_22] : memref<524288x128xf32, #tpu.memory_space<hbm>> -> memref<256x128xf32, #tpu.memory_space<hbm>>
        %dma_wait3A_24 = arith.constant 0 : i32
        %dma_wait3A_25 = tpu.memref_slice %arg4[%add3A_17, %dma_wait3A_24] : memref<524288x128xf32, #tpu.memory_space<hbm>> -> memref<256x128xf32, #tpu.memory_space<hbm>>
        tpu.wait_dma2 semaphore(%run_scoped3A : memref<!tpu.dma_semaphore, #tpu.memory_space<semaphore_mem>>) src(%arg6 : memref<256x128xf32, #tpu.memory_space<vmem>>) dst(%dma_wait3A_25 : memref<256x128xf32, #tpu.memory_space<hbm>>)
        tpu.yield
      }) : () -> ()
    }
    %scan3A_6 = arith.constant 64 : i32
    return
  }
}

module attributes {stable_mosaic.version = 14 : i64} {
  func.func @_ballq_body(%arg0: i32, %arg1: memref<1x3x4096xf32, #tpu.memory_space<vmem>>, %arg2: memref<1x512x3xf32, #tpu.memory_space<vmem>>, %arg3: memref<1x512x4096xf32, #tpu.memory_space<vmem>>, %arg4: memref<1x512x1xf32, #tpu.memory_space<vmem>>) attributes {dimension_semantics = [#tpu.dimension_semantics<arbitrary>], iteration_bounds = array<i64: 16>, scalar_prefetch = 0 : i64, scratch_operands = 0 : i64, tpu.core_type = #tpu.core_type<tc>, window_params = [{transform_indices = @transform_0, window_bounds = array<i64: 1, 3, 4096>}, {transform_indices = @transform_1, window_bounds = array<i64: 1, 512, 3>}, {transform_indices = @transform_2, window_bounds = array<i64: 1, 512, 4096>}, {transform_indices = @transform_3, window_bounds = array<i64: 1, 512, 1>}]} {
    %get3A = arith.constant 0 : index
    %get3A_0 = arith.constant 0 : index
    %get3A_1 = arith.constant 0 : index
    %get3A_2 = vector.load %arg1[%get3A, %get3A_0, %get3A_1] : memref<1x3x4096xf32, #tpu.memory_space<vmem>>, vector<1x1x4096xf32>
    %get3A_3 = vector.shape_cast %get3A_2 : vector<1x1x4096xf32> to vector<1x4096xf32>
    %get3A_4 = arith.constant 0 : index
    %get3A_5 = arith.constant 1 : index
    %get3A_6 = arith.constant 0 : index
    %get3A_7 = vector.load %arg1[%get3A_4, %get3A_5, %get3A_6] : memref<1x3x4096xf32, #tpu.memory_space<vmem>>, vector<1x1x4096xf32>
    %get3A_8 = vector.shape_cast %get3A_7 : vector<1x1x4096xf32> to vector<1x4096xf32>
    %get3A_9 = arith.constant 0 : index
    %get3A_10 = arith.constant 2 : index
    %get3A_11 = arith.constant 0 : index
    %get3A_12 = vector.load %arg1[%get3A_9, %get3A_10, %get3A_11] : memref<1x3x4096xf32, #tpu.memory_space<vmem>>, vector<1x1x4096xf32>
    %get3A_13 = vector.shape_cast %get3A_12 : vector<1x1x4096xf32> to vector<1x4096xf32>
    %get3A_14 = arith.constant 0 : index
    %get3A_15 = arith.constant 0 : index
    %get3A_16 = arith.constant 0 : index
    %get3A_17 = vector.load %arg2[%get3A_14, %get3A_15, %get3A_16] : memref<1x512x3xf32, #tpu.memory_space<vmem>>, vector<1x512x1xf32>
    %get3A_18 = vector.shape_cast %get3A_17 : vector<1x512x1xf32> to vector<512x1xf32>
    %get3A_19 = arith.constant 0 : index
    %get3A_20 = arith.constant 0 : index
    %get3A_21 = arith.constant 1 : index
    %get3A_22 = vector.load %arg2[%get3A_19, %get3A_20, %get3A_21] : memref<1x512x3xf32, #tpu.memory_space<vmem>>, vector<1x512x1xf32>
    %get3A_23 = vector.shape_cast %get3A_22 : vector<1x512x1xf32> to vector<512x1xf32>
    %get3A_24 = arith.constant 0 : index
    %get3A_25 = arith.constant 0 : index
    %get3A_26 = arith.constant 2 : index
    %get3A_27 = vector.load %arg2[%get3A_24, %get3A_25, %get3A_26] : memref<1x512x3xf32, #tpu.memory_space<vmem>>, vector<1x512x1xf32>
    %get3A_28 = vector.shape_cast %get3A_27 : vector<1x512x1xf32> to vector<512x1xf32>
    %sub3A = vector.broadcast %get3A_18 : vector<512x1xf32> to vector<512x4096xf32>
    %sub3A_29 = vector.broadcast %get3A_3 : vector<1x4096xf32> to vector<512x4096xf32>
    %sub3A_30 = arith.subf %sub3A, %sub3A_29 : vector<512x4096xf32>
    %integer_pow3A = arith.mulf %sub3A_30, %sub3A_30 : vector<512x4096xf32>
    %sub3A_31 = vector.broadcast %get3A_23 : vector<512x1xf32> to vector<512x4096xf32>
    %sub3A_32 = vector.broadcast %get3A_8 : vector<1x4096xf32> to vector<512x4096xf32>
    %sub3A_33 = arith.subf %sub3A_31, %sub3A_32 : vector<512x4096xf32>
    %integer_pow3A_34 = arith.mulf %sub3A_33, %sub3A_33 : vector<512x4096xf32>
    %add3A = arith.addf %integer_pow3A, %integer_pow3A_34 : vector<512x4096xf32>
    %sub3A_35 = vector.broadcast %get3A_28 : vector<512x1xf32> to vector<512x4096xf32>
    %sub3A_36 = vector.broadcast %get3A_13 : vector<1x4096xf32> to vector<512x4096xf32>
    %sub3A_37 = arith.subf %sub3A_35, %sub3A_36 : vector<512x4096xf32>
    %integer_pow3A_38 = arith.mulf %sub3A_37, %sub3A_37 : vector<512x4096xf32>
    %add3A_39 = arith.addf %add3A, %integer_pow3A_38 : vector<512x4096xf32>
    %swap3A = arith.constant 0 : index
    %swap3A_40 = arith.constant 0 : index
    %swap3A_41 = arith.constant 0 : index
    %swap3A_42 = vector.load %arg3[%swap3A, %swap3A_40, %swap3A_41] : memref<1x512x4096xf32, #tpu.memory_space<vmem>>, vector<1x512x4096xf32>
    %swap3A_43 = vector.shape_cast %swap3A_42 : vector<1x512x4096xf32> to vector<512x4096xf32>
    %swap3A_44 = vector.shape_cast %add3A_39 : vector<512x4096xf32> to vector<1x512x4096xf32>
    tpu.vector_store %arg3[%swap3A, %swap3A_40, %swap3A_41], %swap3A_44 {strides = array<i32>} : memref<1x512x4096xf32, #tpu.memory_space<vmem>>, vector<1x512x4096xf32>,
    %bitcast_convert_type3A = tpu.bitcast %add3A_39 : vector<512x4096xf32> -> vector<512x4096xi32>
    %le3A = arith.constant 4.000000e-02 : f32
    %le3A_45 = vector.broadcast %le3A : f32 to vector<512x4096xf32>
    %le3A_46 = arith.cmpf ole, %add3A_39, %le3A_45 : vector<512x4096xf32>
    %jit3A = arith.constant 2139095039 : i32
    %broadcast_in_dim3A = vector.broadcast %jit3A : i32 to vector<512x4096xi32>
    %select_n3A = arith.select %le3A_46, %bitcast_convert_type3A, %broadcast_in_dim3A : vector<512x4096xi1>, vector<512x4096xi32>
    %convert_element_type3A = arith.extui %le3A_46 : vector<512x4096xi1> to vector<512x4096xi32>
    %reduce_sum3A = arith.constant dense<0> : vector<512xi32>
    %reduce_sum3A_47 = vector.multi_reduction <add>, %convert_element_type3A, %reduce_sum3A [1] : vector<512x4096xi32> to vector<512xi32>
    %broadcast_in_dim3A_48 = vector.shape_cast %reduce_sum3A_47 : vector<512xi32> to vector<512x1xi32>
    %min3A = arith.constant 64 : i32
    %min3A_49 = vector.broadcast %min3A : i32 to vector<512x1xi32>
    %min3A_50 = arith.minsi %broadcast_in_dim3A_48, %min3A_49 : vector<512x1xi32>
    %broadcast_in_dim3A_51 = arith.constant 0 : i32
    %broadcast_in_dim3A_52 = vector.broadcast %broadcast_in_dim3A_51 : i32 to vector<512x1xi32>
    %broadcast_in_dim3A_53 = arith.constant 1025758986 : i32
    %broadcast_in_dim3A_54 = vector.broadcast %broadcast_in_dim3A_53 : i32 to vector<512x1xi32>
    %scan3A = arith.constant 0 : i32
    %scan3A_55 = arith.constant 30 : i32
    %scan3A_56 = arith.addi %scan3A, %scan3A_55 : i32
    %scan3A_57 = arith.constant 1 : i32
    %scan3A_58:2 = scf.for %scan3A_66 = %scan3A to %scan3A_56 step %scan3A_57 iter_args(%scan3A_67 = %broadcast_in_dim3A_52, %scan3A_68 = %broadcast_in_dim3A_54) -> (vector<512x1xi32>, vector<512x1xi32>)  : i32 {
      %add3A_69 = arith.addi %scan3A_67, %scan3A_68 : vector<512x1xi32>
      %shift_right_arithmetic3A = arith.constant 1 : i32
      %shift_right_arithmetic3A_70 = vector.broadcast %shift_right_arithmetic3A : i32 to vector<512x1xi32>
      %shift_right_arithmetic3A_71 = arith.shrsi %add3A_69, %shift_right_arithmetic3A_70 : vector<512x1xi32>
      %le3A_72 = vector.broadcast %shift_right_arithmetic3A_71 : vector<512x1xi32> to vector<512x4096xi32>
      %le3A_73 = arith.cmpi sle, %select_n3A, %le3A_72 : vector<512x4096xi32>
      %convert_element_type3A_74 = arith.extui %le3A_73 : vector<512x4096xi1> to vector<512x4096xi32>
      %reduce_sum3A_75 = arith.constant dense<0> : vector<512xi32>
      %reduce_sum3A_76 = vector.multi_reduction <add>, %convert_element_type3A_74, %reduce_sum3A_75 [1] : vector<512x4096xi32> to vector<512xi32>
      %broadcast_in_dim3A_77 = vector.shape_cast %reduce_sum3A_76 : vector<512xi32> to vector<512x1xi32>
      %ge3A = arith.cmpi sge, %broadcast_in_dim3A_77, %min3A_50 : vector<512x1xi32>
      %add3A_78 = arith.constant 1 : i32
      %add3A_79 = vector.broadcast %add3A_78 : i32 to vector<512x1xi32>
      %add3A_80 = arith.addi %shift_right_arithmetic3A_71, %add3A_79 : vector<512x1xi32>
      %select_n3A_81 = arith.select %ge3A, %scan3A_67, %add3A_80 : vector<512x1xi1>, vector<512x1xi32>
      %select_n3A_82 = arith.select %ge3A, %shift_right_arithmetic3A_71, %scan3A_68 : vector<512x1xi1>, vector<512x1xi32>
      scf.yield %select_n3A_81, %select_n3A_82 : vector<512x1xi32>, vector<512x1xi32>
    }
    %bitcast_convert_type3A_59 = tpu.bitcast %scan3A_58#1 : vector<512x1xi32> -> vector<512x1xf32>
    %swap3A_60 = arith.constant 0 : index
    %swap3A_61 = arith.constant 0 : index
    %swap3A_62 = arith.constant 0 : index
    %swap3A_63 = vector.load %arg4[%swap3A_60, %swap3A_61, %swap3A_62] : memref<1x512x1xf32, #tpu.memory_space<vmem>>, vector<1x512x1xf32>
    %swap3A_64 = vector.shape_cast %swap3A_63 : vector<1x512x1xf32> to vector<512x1xf32>
    %swap3A_65 = vector.shape_cast %bitcast_convert_type3A_59 : vector<512x1xf32> to vector<1x512x1xf32>
    tpu.vector_store %arg4[%swap3A_60, %swap3A_61, %swap3A_62], %swap3A_65 {strides = array<i32>} : memref<1x512x1xf32, #tpu.memory_space<vmem>>, vector<1x512x1xf32>,
    return
  }
  func.func @transform_0(%arg0: i32) -> (i32, i32, i32) {
    %c0_i32 = arith.constant 0 : i32
    %c0_i32_0 = arith.constant 0 : i32
    %c0_i32_1 = arith.constant 0 : i32
    return %arg0, %c0_i32, %c0_i32_0 : i32, i32, i32
  }
  func.func @transform_1(%arg0: i32) -> (i32, i32, i32) {
    %c0_i32 = arith.constant 0 : i32
    %c0_i32_0 = arith.constant 0 : i32
    %c0_i32_1 = arith.constant 0 : i32
    return %arg0, %c0_i32, %c0_i32_0 : i32, i32, i32
  }
  func.func @transform_2(%arg0: i32) -> (i32, i32, i32) {
    %c0_i32 = arith.constant 0 : i32
    %c0_i32_0 = arith.constant 0 : i32
    %c0_i32_1 = arith.constant 0 : i32
    return %arg0, %c0_i32, %c0_i32_0 : i32, i32, i32
  }
  func.func @transform_3(%arg0: i32) -> (i32, i32, i32) {
    %c0_i32 = arith.constant 0 : i32
    %c0_i32_0 = arith.constant 0 : i32
    %c0_i32_1 = arith.constant 0 : i32
    return %arg0, %c0_i32, %c0_i32_0 : i32, i32, i32
  }
}

module attributes {stable_mosaic.version = 14 : i64} {
  func.func @_fps_body(%arg0: memref<16x32x128xf32, #tpu.memory_space<vmem>>, %arg1: memref<16x32x128xf32, #tpu.memory_space<vmem>>, %arg2: memref<16x32x128xf32, #tpu.memory_space<vmem>>, %arg3: memref<16x4x128xi32, #tpu.memory_space<vmem>>, %arg4: memref<16x4x128xf32, #tpu.memory_space<vmem>>, %arg5: memref<16x4x128xf32, #tpu.memory_space<vmem>>, %arg6: memref<16x4x128xf32, #tpu.memory_space<vmem>>, %arg7: memref<16x32x128xf32, #tpu.memory_space<vmem>>) attributes {dimension_semantics = [], scalar_prefetch = 0 : i64, scratch_operands = 1 : i64, tpu.core_type = #tpu.core_type<tc>} {
    %get3A = arith.constant 0 : index
    %get3A_0 = arith.constant 0 : index
    %get3A_1 = arith.constant 0 : index
    %get3A_2 = vector.load %arg0[%get3A, %get3A_0, %get3A_1] : memref<16x32x128xf32, #tpu.memory_space<vmem>>, vector<16x32x128xf32>
    %get3A_3 = arith.constant 0 : index
    %get3A_4 = arith.constant 0 : index
    %get3A_5 = arith.constant 0 : index
    %get3A_6 = vector.load %arg1[%get3A_3, %get3A_4, %get3A_5] : memref<16x32x128xf32, #tpu.memory_space<vmem>>, vector<16x32x128xf32>
    %get3A_7 = arith.constant 0 : index
    %get3A_8 = arith.constant 0 : index
    %get3A_9 = arith.constant 0 : index
    %get3A_10 = vector.load %arg2[%get3A_7, %get3A_8, %get3A_9] : memref<16x32x128xf32, #tpu.memory_space<vmem>>, vector<16x32x128xf32>
    %iota3A = tpu.iota {dimensions = array<i32: 1>} : vector<1x32x128xi32>
    %mul3A = arith.constant 128 : i32
    %mul3A_11 = vector.broadcast %mul3A : i32 to vector<1x32x128xi32>
    %mul3A_12 = arith.muli %iota3A, %mul3A_11 : vector<1x32x128xi32>
    %iota3A_13 = tpu.iota {dimensions = array<i32: 2>} : vector<1x32x128xi32>
    %add3A = arith.addi %mul3A_12, %iota3A_13 : vector<1x32x128xi32>
    %iota3A_14 = tpu.iota {dimensions = array<i32: 1>} : vector<1x4x128xi32>
    %mul3A_15 = arith.constant 128 : i32
    %mul3A_16 = vector.broadcast %mul3A_15 : i32 to vector<1x4x128xi32>
    %mul3A_17 = arith.muli %iota3A_14, %mul3A_16 : vector<1x4x128xi32>
    %iota3A_18 = tpu.iota {dimensions = array<i32: 2>} : vector<1x4x128xi32>
    %add3A_19 = arith.addi %mul3A_17, %iota3A_18 : vector<1x4x128xi32>
    %broadcast_in_dim3A = arith.constant 0 : i32
    %broadcast_in_dim3A_20 = vector.broadcast %broadcast_in_dim3A : i32 to vector<16x1x1xi32>
    %eq3A = vector.broadcast %add3A : vector<1x32x128xi32> to vector<16x32x128xi32>
    %eq3A_21 = vector.broadcast %broadcast_in_dim3A_20 : vector<16x1x1xi32> to vector<16x32x128xi32>
    %eq3A_22 = arith.cmpi eq, %eq3A, %eq3A_21 : vector<16x32x128xi32>
    %jit3A = arith.constant 0.000000e+00 : f32
    %broadcast_in_dim3A_23 = vector.broadcast %jit3A : f32 to vector<16x32x128xf32>
    %select_n3A = arith.select %eq3A_22, %get3A_2, %broadcast_in_dim3A_23 : vector<16x32x128xi1>, vector<16x32x128xf32>
    %reduce_sum3A = arith.constant dense<0.000000e+00> : vector<16xf32>
    %reduce_sum3A_24 = vector.multi_reduction <add>, %select_n3A, %reduce_sum3A [1, 2] : vector<16x32x128xf32> to vector<16xf32>
    %broadcast_in_dim3A_25 = vector.shape_cast %reduce_sum3A_24 : vector<16xf32> to vector<16x1x1xf32>
    %jit3A_26 = arith.constant 0.000000e+00 : f32
    %broadcast_in_dim3A_27 = vector.broadcast %jit3A_26 : f32 to vector<16x32x128xf32>
    %select_n3A_28 = arith.select %eq3A_22, %get3A_6, %broadcast_in_dim3A_27 : vector<16x32x128xi1>, vector<16x32x128xf32>
    %reduce_sum3A_29 = arith.constant dense<0.000000e+00> : vector<16xf32>
    %reduce_sum3A_30 = vector.multi_reduction <add>, %select_n3A_28, %reduce_sum3A_29 [1, 2] : vector<16x32x128xf32> to vector<16xf32>
    %broadcast_in_dim3A_31 = vector.shape_cast %reduce_sum3A_30 : vector<16xf32> to vector<16x1x1xf32>
    %jit3A_32 = arith.constant 0.000000e+00 : f32
    %broadcast_in_dim3A_33 = vector.broadcast %jit3A_32 : f32 to vector<16x32x128xf32>
    %select_n3A_34 = arith.select %eq3A_22, %get3A_10, %broadcast_in_dim3A_33 : vector<16x32x128xi1>, vector<16x32x128xf32>
    %reduce_sum3A_35 = arith.constant dense<0.000000e+00> : vector<16xf32>
    %reduce_sum3A_36 = vector.multi_reduction <add>, %select_n3A_34, %reduce_sum3A_35 [1, 2] : vector<16x32x128xf32> to vector<16xf32>
    %broadcast_in_dim3A_37 = vector.shape_cast %reduce_sum3A_36 : vector<16xf32> to vector<16x1x1xf32>
    %sub3A = vector.broadcast %broadcast_in_dim3A_25 : vector<16x1x1xf32> to vector<16x32x128xf32>
    %sub3A_38 = arith.subf %get3A_2, %sub3A : vector<16x32x128xf32>
    %integer_pow3A = arith.mulf %sub3A_38, %sub3A_38 : vector<16x32x128xf32>
    %sub3A_39 = vector.broadcast %broadcast_in_dim3A_31 : vector<16x1x1xf32> to vector<16x32x128xf32>
    %sub3A_40 = arith.subf %get3A_6, %sub3A_39 : vector<16x32x128xf32>
    %integer_pow3A_41 = arith.mulf %sub3A_40, %sub3A_40 : vector<16x32x128xf32>
    %add3A_42 = arith.addf %integer_pow3A, %integer_pow3A_41 : vector<16x32x128xf32>
    %sub3A_43 = vector.broadcast %broadcast_in_dim3A_37 : vector<16x1x1xf32> to vector<16x32x128xf32>
    %sub3A_44 = arith.subf %get3A_10, %sub3A_43 : vector<16x32x128xf32>
    %integer_pow3A_45 = arith.mulf %sub3A_44, %sub3A_44 : vector<16x32x128xf32>
    %add3A_46 = arith.addf %add3A_42, %integer_pow3A_45 : vector<16x32x128xf32>
    %swap3A = arith.constant 0 : index
    %swap3A_47 = arith.constant 0 : index
    %swap3A_48 = arith.constant 0 : index
    %swap3A_49 = vector.load %arg7[%swap3A, %swap3A_47, %swap3A_48] : memref<16x32x128xf32, #tpu.memory_space<vmem>>, vector<16x32x128xf32>
    tpu.vector_store %arg7[%swap3A, %swap3A_47, %swap3A_48], %add3A_46 {strides = array<i32>} : memref<16x32x128xf32, #tpu.memory_space<vmem>>, vector<16x32x128xf32>,
    %broadcast_in_dim3A_50 = arith.constant 0 : i32
    %broadcast_in_dim3A_51 = vector.broadcast %broadcast_in_dim3A_50 : i32 to vector<16x4x128xi32>
    %swap3A_52 = arith.constant 0 : index
    %swap3A_53 = arith.constant 0 : index
    %swap3A_54 = arith.constant 0 : index
    %swap3A_55 = vector.load %arg3[%swap3A_52, %swap3A_53, %swap3A_54] : memref<16x4x128xi32, #tpu.memory_space<vmem>>, vector<16x4x128xi32>
    tpu.vector_store %arg3[%swap3A_52, %swap3A_53, %swap3A_54], %broadcast_in_dim3A_51 {strides = array<i32>} : memref<16x4x128xi32, #tpu.memory_space<vmem>>, vector<16x4x128xi32>,
    %eq3A_56 = arith.constant 0 : i32
    %eq3A_57 = vector.broadcast %eq3A_56 : i32 to vector<1x4x128xi32>
    %eq3A_58 = arith.cmpi eq, %add3A_19, %eq3A_57 : vector<1x4x128xi32>
    %jit3A_59 = arith.constant 0.000000e+00 : f32
    %broadcast_in_dim3A_60 = vector.shape_cast %eq3A_58 : vector<1x4x128xi1> to vector<1x4x128xi1>
    %broadcast_in_dim3A_61 = vector.broadcast %broadcast_in_dim3A_60 : vector<1x4x128xi1> to vector<16x4x128xi1>
    %broadcast_in_dim3A_62 = vector.shape_cast %broadcast_in_dim3A_25 : vector<16x1x1xf32> to vector<16x1x1xf32>
    %broadcast_in_dim3A_63 = vector.broadcast %broadcast_in_dim3A_62 : vector<16x1x1xf32> to vector<16x4x128xf32>
    %broadcast_in_dim3A_64 = vector.broadcast %jit3A_59 : f32 to vector<16x4x128xf32>
    %select_n3A_65 = arith.select %broadcast_in_dim3A_61, %broadcast_in_dim3A_63, %broadcast_in_dim3A_64 : vector<16x4x128xi1>, vector<16x4x128xf32>
    %swap3A_66 = arith.constant 0 : index
    %swap3A_67 = arith.constant 0 : index
    %swap3A_68 = arith.constant 0 : index
    %swap3A_69 = vector.load %arg4[%swap3A_66, %swap3A_67, %swap3A_68] : memref<16x4x128xf32, #tpu.memory_space<vmem>>, vector<16x4x128xf32>
    tpu.vector_store %arg4[%swap3A_66, %swap3A_67, %swap3A_68], %select_n3A_65 {strides = array<i32>} : memref<16x4x128xf32, #tpu.memory_space<vmem>>, vector<16x4x128xf32>,
    %eq3A_70 = arith.constant 0 : i32
    %eq3A_71 = vector.broadcast %eq3A_70 : i32 to vector<1x4x128xi32>
    %eq3A_72 = arith.cmpi eq, %add3A_19, %eq3A_71 : vector<1x4x128xi32>
    %jit3A_73 = arith.constant 0.000000e+00 : f32
    %broadcast_in_dim3A_74 = vector.shape_cast %eq3A_72 : vector<1x4x128xi1> to vector<1x4x128xi1>
    %broadcast_in_dim3A_75 = vector.broadcast %broadcast_in_dim3A_74 : vector<1x4x128xi1> to vector<16x4x128xi1>
    %broadcast_in_dim3A_76 = vector.shape_cast %broadcast_in_dim3A_31 : vector<16x1x1xf32> to vector<16x1x1xf32>
    %broadcast_in_dim3A_77 = vector.broadcast %broadcast_in_dim3A_76 : vector<16x1x1xf32> to vector<16x4x128xf32>
    %broadcast_in_dim3A_78 = vector.broadcast %jit3A_73 : f32 to vector<16x4x128xf32>
    %select_n3A_79 = arith.select %broadcast_in_dim3A_75, %broadcast_in_dim3A_77, %broadcast_in_dim3A_78 : vector<16x4x128xi1>, vector<16x4x128xf32>
    %swap3A_80 = arith.constant 0 : index
    %swap3A_81 = arith.constant 0 : index
    %swap3A_82 = arith.constant 0 : index
    %swap3A_83 = vector.load %arg5[%swap3A_80, %swap3A_81, %swap3A_82] : memref<16x4x128xf32, #tpu.memory_space<vmem>>, vector<16x4x128xf32>
    tpu.vector_store %arg5[%swap3A_80, %swap3A_81, %swap3A_82], %select_n3A_79 {strides = array<i32>} : memref<16x4x128xf32, #tpu.memory_space<vmem>>, vector<16x4x128xf32>,
    %eq3A_84 = arith.constant 0 : i32
    %eq3A_85 = vector.broadcast %eq3A_84 : i32 to vector<1x4x128xi32>
    %eq3A_86 = arith.cmpi eq, %add3A_19, %eq3A_85 : vector<1x4x128xi32>
    %jit3A_87 = arith.constant 0.000000e+00 : f32
    %broadcast_in_dim3A_88 = vector.shape_cast %eq3A_86 : vector<1x4x128xi1> to vector<1x4x128xi1>
    %broadcast_in_dim3A_89 = vector.broadcast %broadcast_in_dim3A_88 : vector<1x4x128xi1> to vector<16x4x128xi1>
    %broadcast_in_dim3A_90 = vector.shape_cast %broadcast_in_dim3A_37 : vector<16x1x1xf32> to vector<16x1x1xf32>
    %broadcast_in_dim3A_91 = vector.broadcast %broadcast_in_dim3A_90 : vector<16x1x1xf32> to vector<16x4x128xf32>
    %broadcast_in_dim3A_92 = vector.broadcast %jit3A_87 : f32 to vector<16x4x128xf32>
    %select_n3A_93 = arith.select %broadcast_in_dim3A_89, %broadcast_in_dim3A_91, %broadcast_in_dim3A_92 : vector<16x4x128xi1>, vector<16x4x128xf32>
    %swap3A_94 = arith.constant 0 : index
    %swap3A_95 = arith.constant 0 : index
    %swap3A_96 = arith.constant 0 : index
    %swap3A_97 = vector.load %arg6[%swap3A_94, %swap3A_95, %swap3A_96] : memref<16x4x128xf32, #tpu.memory_space<vmem>>, vector<16x4x128xf32>
    tpu.vector_store %arg6[%swap3A_94, %swap3A_95, %swap3A_96], %select_n3A_93 {strides = array<i32>} : memref<16x4x128xf32, #tpu.memory_space<vmem>>, vector<16x4x128xf32>,
    %scan3A = arith.constant 1 : i32
    %scan3A_98 = arith.constant 511 : i32
    %scan3A_99 = arith.addi %scan3A, %scan3A_98 : i32
    %scan3A_100 = arith.constant 1 : i32
    scf.for %scan3A_102 = %scan3A to %scan3A_99 step %scan3A_100  : i32 {
      %get3A_103 = arith.constant 0 : index
      %get3A_104 = arith.constant 0 : index
      %get3A_105 = arith.constant 0 : index
      %get3A_106 = vector.load %arg7[%get3A_103, %get3A_104, %get3A_105] : memref<16x32x128xf32, #tpu.memory_space<vmem>>, vector<16x32x128xf32>
      %reduce_max3A = arith.constant dense<0xFF800000> : vector<16xf32>
      %reduce_max3A_107 = vector.multi_reduction <maximumf>, %get3A_106, %reduce_max3A [1, 2] : vector<16x32x128xf32> to vector<16xf32>
      %broadcast_in_dim3A_108 = vector.shape_cast %reduce_max3A_107 : vector<16xf32> to vector<16x1x1xf32>
      %eq3A_109 = vector.broadcast %broadcast_in_dim3A_108 : vector<16x1x1xf32> to vector<16x32x128xf32>
      %eq3A_110 = arith.cmpf oeq, %get3A_106, %eq3A_109 : vector<16x32x128xf32>
      %jit3A_111 = arith.constant 1073741824 : i32
      %broadcast_in_dim3A_112 = vector.shape_cast %add3A : vector<1x32x128xi32> to vector<1x32x128xi32>
      %broadcast_in_dim3A_113 = vector.broadcast %broadcast_in_dim3A_112 : vector<1x32x128xi32> to vector<16x32x128xi32>
      %broadcast_in_dim3A_114 = vector.broadcast %jit3A_111 : i32 to vector<16x32x128xi32>
      %select_n3A_115 = arith.select %eq3A_110, %broadcast_in_dim3A_113, %broadcast_in_dim3A_114 : vector<16x32x128xi1>, vector<16x32x128xi32>
      %reduce_min3A = arith.constant dense<2147483647> : vector<16xi32>
      %reduce_min3A_116 = vector.multi_reduction <minsi>, %select_n3A_115, %reduce_min3A [1, 2] : vector<16x32x128xi32> to vector<16xi32>
      %broadcast_in_dim3A_117 = vector.shape_cast %reduce_min3A_116 : vector<16xi32> to vector<16x1x1xi32>
      %eq3A_118 = vector.broadcast %add3A : vector<1x32x128xi32> to vector<16x32x128xi32>
      %eq3A_119 = vector.broadcast %broadcast_in_dim3A_117 : vector<16x1x1xi32> to vector<16x32x128xi32>
      %eq3A_120 = arith.cmpi eq, %eq3A_118, %eq3A_119 : vector<16x32x128xi32>
      %jit3A_121 = arith.constant 0.000000e+00 : f32
      %broadcast_in_dim3A_122 = vector.broadcast %jit3A_121 : f32 to vector<16x32x128xf32>
      %select_n3A_123 = arith.select %eq3A_120, %get3A_2, %broadcast_in_dim3A_122 : vector<16x32x128xi1>, vector<16x32x128xf32>
      %reduce_sum3A_124 = arith.constant dense<0.000000e+00> : vector<16xf32>
      %reduce_sum3A_125 = vector.multi_reduction <add>, %select_n3A_123, %reduce_sum3A_124 [1, 2] : vector<16x32x128xf32> to vector<16xf32>
      %broadcast_in_dim3A_126 = vector.shape_cast %reduce_sum3A_125 : vector<16xf32> to vector<16x1x1xf32>
      %jit3A_127 = arith.constant 0.000000e+00 : f32
      %broadcast_in_dim3A_128 = vector.broadcast %jit3A_127 : f32 to vector<16x32x128xf32>
      %select_n3A_129 = arith.select %eq3A_120, %get3A_6, %broadcast_in_dim3A_128 : vector<16x32x128xi1>, vector<16x32x128xf32>
      %reduce_sum3A_130 = arith.constant dense<0.000000e+00> : vector<16xf32>
      %reduce_sum3A_131 = vector.multi_reduction <add>, %select_n3A_129, %reduce_sum3A_130 [1, 2] : vector<16x32x128xf32> to vector<16xf32>
      %broadcast_in_dim3A_132 = vector.shape_cast %reduce_sum3A_131 : vector<16xf32> to vector<16x1x1xf32>
      %jit3A_133 = arith.constant 0.000000e+00 : f32
      %broadcast_in_dim3A_134 = vector.broadcast %jit3A_133 : f32 to vector<16x32x128xf32>
      %select_n3A_135 = arith.select %eq3A_120, %get3A_10, %broadcast_in_dim3A_134 : vector<16x32x128xi1>, vector<16x32x128xf32>
      %reduce_sum3A_136 = arith.constant dense<0.000000e+00> : vector<16xf32>
      %reduce_sum3A_137 = vector.multi_reduction <add>, %select_n3A_135, %reduce_sum3A_136 [1, 2] : vector<16x32x128xf32> to vector<16xf32>
      %broadcast_in_dim3A_138 = vector.shape_cast %reduce_sum3A_137 : vector<16xf32> to vector<16x1x1xf32>
      %sub3A_139 = vector.broadcast %broadcast_in_dim3A_126 : vector<16x1x1xf32> to vector<16x32x128xf32>
      %sub3A_140 = arith.subf %get3A_2, %sub3A_139 : vector<16x32x128xf32>
      %integer_pow3A_141 = arith.mulf %sub3A_140, %sub3A_140 : vector<16x32x128xf32>
      %sub3A_142 = vector.broadcast %broadcast_in_dim3A_132 : vector<16x1x1xf32> to vector<16x32x128xf32>
      %sub3A_143 = arith.subf %get3A_6, %sub3A_142 : vector<16x32x128xf32>
      %integer_pow3A_144 = arith.mulf %sub3A_143, %sub3A_143 : vector<16x32x128xf32>
      %add3A_145 = arith.addf %integer_pow3A_141, %integer_pow3A_144 : vector<16x32x128xf32>
      %sub3A_146 = vector.broadcast %broadcast_in_dim3A_138 : vector<16x1x1xf32> to vector<16x32x128xf32>
      %sub3A_147 = arith.subf %get3A_10, %sub3A_146 : vector<16x32x128xf32>
      %integer_pow3A_148 = arith.mulf %sub3A_147, %sub3A_147 : vector<16x32x128xf32>
      %add3A_149 = arith.addf %add3A_145, %integer_pow3A_148 : vector<16x32x128xf32>
      %min3A = arith.minimumf %get3A_106, %add3A_149 : vector<16x32x128xf32>
      %swap3A_150 = arith.constant 0 : index
      %swap3A_151 = arith.constant 0 : index
      %swap3A_152 = arith.constant 0 : index
      %swap3A_153 = vector.load %arg7[%swap3A_150, %swap3A_151, %swap3A_152] : memref<16x32x128xf32, #tpu.memory_space<vmem>>, vector<16x32x128xf32>
      tpu.vector_store %arg7[%swap3A_150, %swap3A_151, %swap3A_152], %min3A {strides = array<i32>} : memref<16x32x128xf32, #tpu.memory_space<vmem>>, vector<16x32x128xf32>,
      %eq3A_154 = vector.broadcast %scan3A_102 : i32 to vector<1x4x128xi32>
      %eq3A_155 = arith.cmpi eq, %add3A_19, %eq3A_154 : vector<1x4x128xi32>
      %get3A_156 = arith.constant 0 : index
      %get3A_157 = arith.constant 0 : index
      %get3A_158 = arith.constant 0 : index
      %get3A_159 = vector.load %arg3[%get3A_156, %get3A_157, %get3A_158] : memref<16x4x128xi32, #tpu.memory_space<vmem>>, vector<16x4x128xi32>
      %broadcast_in_dim3A_160 = vector.shape_cast %eq3A_155 : vector<1x4x128xi1> to vector<1x4x128xi1>
      %broadcast_in_dim3A_161 = vector.broadcast %broadcast_in_dim3A_160 : vector<1x4x128xi1> to vector<16x4x128xi1>
      %broadcast_in_dim3A_162 = vector.shape_cast %broadcast_in_dim3A_117 : vector<16x1x1xi32> to vector<16x1x1xi32>
      %broadcast_in_dim3A_163 = vector.broadcast %broadcast_in_dim3A_162 : vector<16x1x1xi32> to vector<16x4x128xi32>
      %select_n3A_164 = arith.select %broadcast_in_dim3A_161, %broadcast_in_dim3A_163, %get3A_159 : vector<16x4x128xi1>, vector<16x4x128xi32>
      %swap3A_165 = arith.constant 0 : index
      %swap3A_166 = arith.constant 0 : index
      %swap3A_167 = arith.constant 0 : index
      %swap3A_168 = vector.load %arg3[%swap3A_165, %swap3A_166, %swap3A_167] : memref<16x4x128xi32, #tpu.memory_space<vmem>>, vector<16x4x128xi32>
      tpu.vector_store %arg3[%swap3A_165, %swap3A_166, %swap3A_167], %select_n3A_164 {strides = array<i32>} : memref<16x4x128xi32, #tpu.memory_space<vmem>>, vector<16x4x128xi32>,
      %get3A_169 = arith.constant 0 : index
      %get3A_170 = arith.constant 0 : index
      %get3A_171 = arith.constant 0 : index
      %get3A_172 = vector.load %arg4[%get3A_169, %get3A_170, %get3A_171] : memref<16x4x128xf32, #tpu.memory_space<vmem>>, vector<16x4x128xf32>
      %broadcast_in_dim3A_173 = vector.shape_cast %eq3A_155 : vector<1x4x128xi1> to vector<1x4x128xi1>
      %broadcast_in_dim3A_174 = vector.broadcast %broadcast_in_dim3A_173 : vector<1x4x128xi1> to vector<16x4x128xi1>
      %broadcast_in_dim3A_175 = vector.shape_cast %broadcast_in_dim3A_126 : vector<16x1x1xf32> to vector<16x1x1xf32>
      %broadcast_in_dim3A_176 = vector.broadcast %broadcast_in_dim3A_175 : vector<16x1x1xf32> to vector<16x4x128xf32>
      %select_n3A_177 = arith.select %broadcast_in_dim3A_174, %broadcast_in_dim3A_176, %get3A_172 : vector<16x4x128xi1>, vector<16x4x128xf32>
      %swap3A_178 = arith.constant 0 : index
      %swap3A_179 = arith.constant 0 : index
      %swap3A_180 = arith.constant 0 : index
      %swap3A_181 = vector.load %arg4[%swap3A_178, %swap3A_179, %swap3A_180] : memref<16x4x128xf32, #tpu.memory_space<vmem>>, vector<16x4x128xf32>
      tpu.vector_store %arg4[%swap3A_178, %swap3A_179, %swap3A_180], %select_n3A_177 {strides = array<i32>} : memref<16x4x128xf32, #tpu.memory_space<vmem>>, vector<16x4x128xf32>,
      %get3A_182 = arith.constant 0 : index
      %get3A_183 = arith.constant 0 : index
      %get3A_184 = arith.constant 0 : index
      %get3A_185 = vector.load %arg5[%get3A_182, %get3A_183, %get3A_184] : memref<16x4x128xf32, #tpu.memory_space<vmem>>, vector<16x4x128xf32>
      %broadcast_in_dim3A_186 = vector.shape_cast %eq3A_155 : vector<1x4x128xi1> to vector<1x4x128xi1>
      %broadcast_in_dim3A_187 = vector.broadcast %broadcast_in_dim3A_186 : vector<1x4x128xi1> to vector<16x4x128xi1>
      %broadcast_in_dim3A_188 = vector.shape_cast %broadcast_in_dim3A_132 : vector<16x1x1xf32> to vector<16x1x1xf32>
      %broadcast_in_dim3A_189 = vector.broadcast %broadcast_in_dim3A_188 : vector<16x1x1xf32> to vector<16x4x128xf32>
      %select_n3A_190 = arith.select %broadcast_in_dim3A_187, %broadcast_in_dim3A_189, %get3A_185 : vector<16x4x128xi1>, vector<16x4x128xf32>
      %swap3A_191 = arith.constant 0 : index
      %swap3A_192 = arith.constant 0 : index
      %swap3A_193 = arith.constant 0 : index
      %swap3A_194 = vector.load %arg5[%swap3A_191, %swap3A_192, %swap3A_193] : memref<16x4x128xf32, #tpu.memory_space<vmem>>, vector<16x4x128xf32>
      tpu.vector_store %arg5[%swap3A_191, %swap3A_192, %swap3A_193], %select_n3A_190 {strides = array<i32>} : memref<16x4x128xf32, #tpu.memory_space<vmem>>, vector<16x4x128xf32>,
      %get3A_195 = arith.constant 0 : index
      %get3A_196 = arith.constant 0 : index
      %get3A_197 = arith.constant 0 : index
      %get3A_198 = vector.load %arg6[%get3A_195, %get3A_196, %get3A_197] : memref<16x4x128xf32, #tpu.memory_space<vmem>>, vector<16x4x128xf32>
      %broadcast_in_dim3A_199 = vector.shape_cast %eq3A_155 : vector<1x4x128xi1> to vector<1x4x128xi1>
      %broadcast_in_dim3A_200 = vector.broadcast %broadcast_in_dim3A_199 : vector<1x4x128xi1> to vector<16x4x128xi1>
      %broadcast_in_dim3A_201 = vector.shape_cast %broadcast_in_dim3A_138 : vector<16x1x1xf32> to vector<16x1x1xf32>
      %broadcast_in_dim3A_202 = vector.broadcast %broadcast_in_dim3A_201 : vector<16x1x1xf32> to vector<16x4x128xf32>
      %select_n3A_203 = arith.select %broadcast_in_dim3A_200, %broadcast_in_dim3A_202, %get3A_198 : vector<16x4x128xi1>, vector<16x4x128xf32>
      %swap3A_204 = arith.constant 0 : index
      %swap3A_205 = arith.constant 0 : index
      %swap3A_206 = arith.constant 0 : index
      %swap3A_207 = vector.load %arg6[%swap3A_204, %swap3A_205, %swap3A_206] : memref<16x4x128xf32, #tpu.memory_space<vmem>>, vector<16x4x128xf32>
      tpu.vector_store %arg6[%swap3A_204, %swap3A_205, %swap3A_206], %select_n3A_203 {strides = array<i32>} : memref<16x4x128xf32, #tpu.memory_space<vmem>>, vector<16x4x128xf32>,
    }
    %scan3A_101 = arith.constant 511 : i32
    return
  }
}

module attributes {stable_mosaic.version = 14 : i64} {
  func.func @_mlp_body(%arg0: i32, %arg1: memref<4096x128xf32, #tpu.memory_space<vmem>>, %arg2: memref<4096x3xf32, #tpu.memory_space<vmem>>, %arg3: memref<67x64xf32, #tpu.memory_space<vmem>>, %arg4: memref<1x64xf32, #tpu.memory_space<vmem>>, %arg5: memref<64x64xf32, #tpu.memory_space<vmem>>, %arg6: memref<1x64xf32, #tpu.memory_space<vmem>>, %arg7: memref<64x128xf32, #tpu.memory_space<vmem>>, %arg8: memref<1x128xf32, #tpu.memory_space<vmem>>, %arg9: memref<64x128xf32, #tpu.memory_space<vmem>>) attributes {dimension_semantics = [#tpu.dimension_semantics<arbitrary>], iteration_bounds = array<i64: 128>, scalar_prefetch = 0 : i64, scratch_operands = 0 : i64, tpu.core_type = #tpu.core_type<tc>, window_params = [{transform_indices = @transform_0, window_bounds = array<i64: 4096, 128>}, {transform_indices = @transform_1, window_bounds = array<i64: 4096, 3>}, {pipeline_mode = #tpu.pipeline_mode<synchronous>, transform_indices = @transform_2, window_bounds = array<i64: 67, 64>}, {pipeline_mode = #tpu.pipeline_mode<synchronous>, transform_indices = @transform_3, window_bounds = array<i64: 1, 64>}, {pipeline_mode = #tpu.pipeline_mode<synchronous>, transform_indices = @transform_4, window_bounds = array<i64: 64, 64>}, {pipeline_mode = #tpu.pipeline_mode<synchronous>, transform_indices = @transform_5, window_bounds = array<i64: 1, 64>}, {pipeline_mode = #tpu.pipeline_mode<synchronous>, transform_indices = @transform_6, window_bounds = array<i64: 64, 128>}, {pipeline_mode = #tpu.pipeline_mode<synchronous>, transform_indices = @transform_7, window_bounds = array<i64: 1, 128>}, {transform_indices = @transform_8, window_bounds = array<i64: 64, 128>}]} {
    %get3A = arith.constant 0 : index
    %get3A_0 = arith.constant 0 : index
    %get3A_1 = vector.load %arg1[%get3A, %get3A_0] : memref<4096x128xf32, #tpu.memory_space<vmem>>, vector<4096x128xf32>
    %slice3A = vector.extract_strided_slice %get3A_1 {offsets = [0, 0], sizes = [4096, 64], strides = [1, 1]} : vector<4096x128xf32> to vector<4096x64xf32>
    %slice3A_2 = vector.extract_strided_slice %get3A_1 {offsets = [0, 64], sizes = [4096, 3], strides = [1, 1]} : vector<4096x128xf32> to vector<4096x3xf32>
    %get3A_3 = arith.constant 0 : index
    %get3A_4 = arith.constant 0 : index
    %get3A_5 = vector.load %arg2[%get3A_3, %get3A_4] : memref<4096x3xf32, #tpu.memory_space<vmem>>, vector<4096x3xf32>
    %sub3A = arith.subf %slice3A_2, %get3A_5 : vector<4096x3xf32>
    %concatenate3A = tpu.concatenate %slice3A, %sub3A in 1 : vector<4096x64xf32>, vector<4096x3xf32> -> vector<4096x67xf32>
    %get3A_6 = arith.constant 0 : index
    %get3A_7 = arith.constant 0 : index
    %get3A_8 = vector.load %arg3[%get3A_6, %get3A_7] : memref<67x64xf32, #tpu.memory_space<vmem>>, vector<67x64xf32>
    %dot_general3A = arith.constant dense<0.000000e+00> : vector<4096x64xf32>
    %dot_general3A_9 = tpu.matmul %concatenate3A, %get3A_8, %dot_general3A {dimension_numbers = #tpu.dot_dimension_numbers<[1], [0], [0], [1], [0, 0, 1, 1], [], []>, transpose_lhs_hint = false} : vector<4096x67xf32>, vector<67x64xf32>, vector<4096x64xf32> -> vector<4096x64xf32>
    %get3A_10 = arith.constant 0 : index
    %get3A_11 = arith.constant 0 : index
    %get3A_12 = vector.load %arg4[%get3A_10, %get3A_11] : memref<1x64xf32, #tpu.memory_space<vmem>>, vector<1x64xf32>
    %add3A = vector.broadcast %get3A_12 : vector<1x64xf32> to vector<4096x64xf32>
    %add3A_13 = arith.addf %dot_general3A_9, %add3A : vector<4096x64xf32>
    %max3A = arith.constant 0.000000e+00 : f32
    %max3A_14 = vector.broadcast %max3A : f32 to vector<4096x64xf32>
    %max3A_15 = arith.maximumf %add3A_13, %max3A_14 : vector<4096x64xf32>
    %get3A_16 = arith.constant 0 : index
    %get3A_17 = arith.constant 0 : index
    %get3A_18 = vector.load %arg5[%get3A_16, %get3A_17] : memref<64x64xf32, #tpu.memory_space<vmem>>, vector<64x64xf32>
    %dot_general3A_19 = arith.constant dense<0.000000e+00> : vector<4096x64xf32>
    %dot_general3A_20 = tpu.matmul %max3A_15, %get3A_18, %dot_general3A_19 {dimension_numbers = #tpu.dot_dimension_numbers<[1], [0], [0], [1], [0, 0, 1, 1], [], []>, transpose_lhs_hint = false} : vector<4096x64xf32>, vector<64x64xf32>, vector<4096x64xf32> -> vector<4096x64xf32>
    %get3A_21 = arith.constant 0 : index
    %get3A_22 = arith.constant 0 : index
    %get3A_23 = vector.load %arg6[%get3A_21, %get3A_22] : memref<1x64xf32, #tpu.memory_space<vmem>>, vector<1x64xf32>
    %add3A_24 = vector.broadcast %get3A_23 : vector<1x64xf32> to vector<4096x64xf32>
    %add3A_25 = arith.addf %dot_general3A_20, %add3A_24 : vector<4096x64xf32>
    %max3A_26 = arith.constant 0.000000e+00 : f32
    %max3A_27 = vector.broadcast %max3A_26 : f32 to vector<4096x64xf32>
    %max3A_28 = arith.maximumf %add3A_25, %max3A_27 : vector<4096x64xf32>
    %get3A_29 = arith.constant 0 : index
    %get3A_30 = arith.constant 0 : index
    %get3A_31 = vector.load %arg7[%get3A_29, %get3A_30] : memref<64x128xf32, #tpu.memory_space<vmem>>, vector<64x128xf32>
    %dot_general3A_32 = arith.constant dense<0.000000e+00> : vector<4096x128xf32>
    %dot_general3A_33 = tpu.matmul %max3A_28, %get3A_31, %dot_general3A_32 {dimension_numbers = #tpu.dot_dimension_numbers<[1], [0], [0], [1], [0, 0, 1, 1], [], []>, transpose_lhs_hint = false} : vector<4096x64xf32>, vector<64x128xf32>, vector<4096x128xf32> -> vector<4096x128xf32>
    %get3A_34 = arith.constant 0 : index
    %get3A_35 = arith.constant 0 : index
    %get3A_36 = vector.load %arg8[%get3A_34, %get3A_35] : memref<1x128xf32, #tpu.memory_space<vmem>>, vector<1x128xf32>
    %add3A_37 = vector.broadcast %get3A_36 : vector<1x128xf32> to vector<4096x128xf32>
    %add3A_38 = arith.addf %dot_general3A_33, %add3A_37 : vector<4096x128xf32>
    %max3A_39 = arith.constant 0.000000e+00 : f32
    %max3A_40 = vector.broadcast %max3A_39 : f32 to vector<4096x128xf32>
    %max3A_41 = arith.maximumf %add3A_38, %max3A_40 : vector<4096x128xf32>
    %reshape3A = vector.shape_cast %max3A_41 : vector<4096x128xf32> to vector<2048x2x128xf32>
    %slice3A_42 = vector.extract_strided_slice %reshape3A {offsets = [0, 0, 0], sizes = [2048, 1, 128], strides = [1, 1, 1]} : vector<2048x2x128xf32> to vector<2048x1x128xf32>
    %squeeze3A = vector.shape_cast %slice3A_42 : vector<2048x1x128xf32> to vector<2048x128xf32>
    %slice3A_43 = vector.extract_strided_slice %reshape3A {offsets = [0, 1, 0], sizes = [2048, 1, 128], strides = [1, 1, 1]} : vector<2048x2x128xf32> to vector<2048x1x128xf32>
    %squeeze3A_44 = vector.shape_cast %slice3A_43 : vector<2048x1x128xf32> to vector<2048x128xf32>
    %max3A_45 = arith.maximumf %squeeze3A, %squeeze3A_44 : vector<2048x128xf32>
    %reshape3A_46 = vector.shape_cast %max3A_45 : vector<2048x128xf32> to vector<1024x2x128xf32>
    %slice3A_47 = vector.extract_strided_slice %reshape3A_46 {offsets = [0, 0, 0], sizes = [1024, 1, 128], strides = [1, 1, 1]} : vector<1024x2x128xf32> to vector<1024x1x128xf32>
    %squeeze3A_48 = vector.shape_cast %slice3A_47 : vector<1024x1x128xf32> to vector<1024x128xf32>
    %slice3A_49 = vector.extract_strided_slice %reshape3A_46 {offsets = [0, 1, 0], sizes = [1024, 1, 128], strides = [1, 1, 1]} : vector<1024x2x128xf32> to vector<1024x1x128xf32>
    %squeeze3A_50 = vector.shape_cast %slice3A_49 : vector<1024x1x128xf32> to vector<1024x128xf32>
    %max3A_51 = arith.maximumf %squeeze3A_48, %squeeze3A_50 : vector<1024x128xf32>
    %reshape3A_52 = vector.shape_cast %max3A_51 : vector<1024x128xf32> to vector<512x2x128xf32>
    %slice3A_53 = vector.extract_strided_slice %reshape3A_52 {offsets = [0, 0, 0], sizes = [512, 1, 128], strides = [1, 1, 1]} : vector<512x2x128xf32> to vector<512x1x128xf32>
    %squeeze3A_54 = vector.shape_cast %slice3A_53 : vector<512x1x128xf32> to vector<512x128xf32>
    %slice3A_55 = vector.extract_strided_slice %reshape3A_52 {offsets = [0, 1, 0], sizes = [512, 1, 128], strides = [1, 1, 1]} : vector<512x2x128xf32> to vector<512x1x128xf32>
    %squeeze3A_56 = vector.shape_cast %slice3A_55 : vector<512x1x128xf32> to vector<512x128xf32>
    %max3A_57 = arith.maximumf %squeeze3A_54, %squeeze3A_56 : vector<512x128xf32>
    %reshape3A_58 = vector.shape_cast %max3A_57 : vector<512x128xf32> to vector<256x2x128xf32>
    %slice3A_59 = vector.extract_strided_slice %reshape3A_58 {offsets = [0, 0, 0], sizes = [256, 1, 128], strides = [1, 1, 1]} : vector<256x2x128xf32> to vector<256x1x128xf32>
    %squeeze3A_60 = vector.shape_cast %slice3A_59 : vector<256x1x128xf32> to vector<256x128xf32>
    %slice3A_61 = vector.extract_strided_slice %reshape3A_58 {offsets = [0, 1, 0], sizes = [256, 1, 128], strides = [1, 1, 1]} : vector<256x2x128xf32> to vector<256x1x128xf32>
    %squeeze3A_62 = vector.shape_cast %slice3A_61 : vector<256x1x128xf32> to vector<256x128xf32>
    %max3A_63 = arith.maximumf %squeeze3A_60, %squeeze3A_62 : vector<256x128xf32>
    %reshape3A_64 = vector.shape_cast %max3A_63 : vector<256x128xf32> to vector<128x2x128xf32>
    %slice3A_65 = vector.extract_strided_slice %reshape3A_64 {offsets = [0, 0, 0], sizes = [128, 1, 128], strides = [1, 1, 1]} : vector<128x2x128xf32> to vector<128x1x128xf32>
    %squeeze3A_66 = vector.shape_cast %slice3A_65 : vector<128x1x128xf32> to vector<128x128xf32>
    %slice3A_67 = vector.extract_strided_slice %reshape3A_64 {offsets = [0, 1, 0], sizes = [128, 1, 128], strides = [1, 1, 1]} : vector<128x2x128xf32> to vector<128x1x128xf32>
    %squeeze3A_68 = vector.shape_cast %slice3A_67 : vector<128x1x128xf32> to vector<128x128xf32>
    %max3A_69 = arith.maximumf %squeeze3A_66, %squeeze3A_68 : vector<128x128xf32>
    %reshape3A_70 = vector.shape_cast %max3A_69 : vector<128x128xf32> to vector<64x2x128xf32>
    %slice3A_71 = vector.extract_strided_slice %reshape3A_70 {offsets = [0, 0, 0], sizes = [64, 1, 128], strides = [1, 1, 1]} : vector<64x2x128xf32> to vector<64x1x128xf32>
    %squeeze3A_72 = vector.shape_cast %slice3A_71 : vector<64x1x128xf32> to vector<64x128xf32>
    %slice3A_73 = vector.extract_strided_slice %reshape3A_70 {offsets = [0, 1, 0], sizes = [64, 1, 128], strides = [1, 1, 1]} : vector<64x2x128xf32> to vector<64x1x128xf32>
    %squeeze3A_74 = vector.shape_cast %slice3A_73 : vector<64x1x128xf32> to vector<64x128xf32>
    %max3A_75 = arith.maximumf %squeeze3A_72, %squeeze3A_74 : vector<64x128xf32>
    %swap3A = arith.constant 0 : index
    %swap3A_76 = arith.constant 0 : index
    %swap3A_77 = vector.load %arg9[%swap3A, %swap3A_76] : memref<64x128xf32, #tpu.memory_space<vmem>>, vector<64x128xf32>
    tpu.vector_store %arg9[%swap3A, %swap3A_76], %max3A_75 {strides = array<i32>} : memref<64x128xf32, #tpu.memory_space<vmem>>, vector<64x128xf32>,
    return
  }
  func.func @transform_0(%arg0: i32) -> (i32, i32) {
    %c0_i32 = arith.constant 0 : i32
    %c0_i32_0 = arith.constant 0 : i32
    return %arg0, %c0_i32 : i32, i32
  }
  func.func @transform_1(%arg0: i32) -> (i32, i32) {
    %c0_i32 = arith.constant 0 : i32
    %c0_i32_0 = arith.constant 0 : i32
    return %arg0, %c0_i32 : i32, i32
  }
  func.func @transform_2(%arg0: i32) -> (i32, i32) {
    %c0_i32 = arith.constant 0 : i32
    %c0_i32_0 = arith.constant 0 : i32
    %c0_i32_1 = arith.constant 0 : i32
    return %c0_i32, %c0_i32_0 : i32, i32
  }
  func.func @transform_3(%arg0: i32) -> (i32, i32) {
    %c0_i32 = arith.constant 0 : i32
    %c0_i32_0 = arith.constant 0 : i32
    %c0_i32_1 = arith.constant 0 : i32
    return %c0_i32, %c0_i32_0 : i32, i32
  }
  func.func @transform_4(%arg0: i32) -> (i32, i32) {
    %c0_i32 = arith.constant 0 : i32
    %c0_i32_0 = arith.constant 0 : i32
    %c0_i32_1 = arith.constant 0 : i32
    return %c0_i32, %c0_i32_0 : i32, i32
  }
  func.func @transform_5(%arg0: i32) -> (i32, i32) {
    %c0_i32 = arith.constant 0 : i32
    %c0_i32_0 = arith.constant 0 : i32
    %c0_i32_1 = arith.constant 0 : i32
    return %c0_i32, %c0_i32_0 : i32, i32
  }
  func.func @transform_6(%arg0: i32) -> (i32, i32) {
    %c0_i32 = arith.constant 0 : i32
    %c0_i32_0 = arith.constant 0 : i32
    %c0_i32_1 = arith.constant 0 : i32
    return %c0_i32, %c0_i32_0 : i32, i32
  }
  func.func @transform_7(%arg0: i32) -> (i32, i32) {
    %c0_i32 = arith.constant 0 : i32
    %c0_i32_0 = arith.constant 0 : i32
    %c0_i32_1 = arith.constant 0 : i32
    return %c0_i32, %c0_i32_0 : i32, i32
  }
  func.func @transform_8(%arg0: i32) -> (i32, i32) {
    %c0_i32 = arith.constant 0 : i32
    %c0_i32_0 = arith.constant 0 : i32
    return %arg0, %c0_i32 : i32, i32
  }
}

</mosaic_0001>

<sc_bundles>
// kernel: gather_offload_async_start
scs
__scs_entry_jumppad:
0x0: {  	(pc) =	sbr.rel $0x88, $3  }
0x1: {  	(tag) =	ssettag $0x0;
	lr =	simm.s32 $0x1  }
0x2: {  	[smem:$0x3F98] =	sst lr;
	_ =	strace $0xD0000000  }
0x3: {  	_ = 	snop  }
0x4: {  	_ = 	snop  }
0x5: {  	_ = 	snop  }
0x6: {  	_ = 	snop  }
0x7: {  	_ = 	snop  }
__scs_overlays_trampoline_lowered:
0x8: {  	[smem:$0x3FA7] =	sst s0  }
0x9: {  	[smem:$0x3FA8] =	sst s1  }
0xa: {  	[smem:$0x3FA9] =	sst s2  }
0xb: {  	[smem:$0x3FAA] =	sst s3  }
0xc: {  	[smem:$0x3FAB] =	sst s4  }
0xd: {  	[smem:$0x3FAC] =	sst s5  }
0xe: {  	[smem:$0x3FAD] =	sst s6  }
0xf: {  	[smem:$0x3FAE] =	sst s7  }
0x10: {  	[smem:$0x3FAF] =	sst s8  }
0x11: {  	[smem:$0x3FB0] =	sst s9;
	s0 =	simm.s32 @!p0 $0x0  }
0x12: {  	s1 =	sld [smem:$0x3F96];
	s0 =	simm.s32 @p0 $0x1  }
0x13: {  	[smem:$0x3FB1] =	sst s0;
	s0 =	simm.s32 @!p1 $0x0  }
0x14: {  	s2 =	sld [smem:$0x3F95];
	s0 =	simm.s32 @p1 $0x1  }
0x15: {  	[smem:$0x3FB2] =	sst s0;
	s0 =	simm.s32 @!p2 $0x0  }
0x16: {  	s3 =	sld [smem:$0x3FDB];
	s0 =	simm.s32 @p2 $0x1  }
0x17: {  	s4 =	simm.s32 $0x1BF5;
	[smem:$0x3FB4] =	sst s0  }
0x18: {  	s0 =	sld [smem:$0x3F97];
	_ =	swait.ge [sflag:s4], $0x0  }
0x19: {  	s7 =	sld [smem:$0x3F98]  }
0x1a: {  	s8 =	sadd.s32 $0xFFFFE003, lr  }
0x1b: {  	s9 =	sadd.s32 $0xFFFFFEF7, lr;
	s5 =	simm.s32 $0xFFFFFFFF;
	p2 =	slt.u32 s8, $0xFFFFF086  }
0x1c: {  	p1 =	slt.u32 s9, $0xF7A;
	s5 =	simm.s32 @!p2 $0x0  }
0x1d: {  	s5 =	simm.s32 @p1 $0x1;
	p0 =	seq.s32 s7, s2  }
0x1e: {  	s7 =	smul.u32 @!p0 $0xF7A, s2;
	p2 =	seq.s32 @!p0 s5, $0x0  }
0x1f: {  	s9 =	smul.u32 $0xF7A, s1;
	s8 =	simm.s32 @!p0 $0x1BF5;
	p2 =	por !p2, p0  }
0x20: {  	[sflag:s8] =	ssyncset.s32 @!p0 $0xFFFFF086;
	s6 =	sadd.s32 @!p0 s3, s7;
	s7 =	simm.s32 @!p0 $0x108  }
0x21: {  	s3 =	sadd.s32 s3, s9;
	s6 =	sadd.s32 @!p0 $0x88, s6;
	s7 =	simm.s32 @p2 $0x1082  }
0x22: {  	[simem:s7], [sflag:s8] =	dma.local @!p0 [hbm:s6], $0xF7A  }
0x23: {  	s9 =	sor.u32 $0xD0000000, s2;
	s6 =	simm.s32 $0x108;
	_ =	swait.ge @!p0 [sflag:s8], $0x0  }
0x24: {  	s3 =	sadd.s32 $0x88, s3;
	s6 =	simm.s32 @!p1 $0x1082;
	[sflag:s4] =	ssyncset.s32 $0xFFFFF086  }
0x25: {  	[simem:s6], [sflag:s4] =	dma.local [hbm:s3], $0xF7A  }
0x26: {  	[smem:$0x3F98] =	sst s1;
	(tag) =	ssettag s2;
	_ =	strace s9  }
0x27: {  	s1 =	sld [smem:$0x3FA8]  }
0x28: {  	s2 =	sld [smem:$0x3FA9]  }
0x29: {  	s4 =	sld [smem:$0x3FAB]  }
0x2a: {  	p0 =	seq.s32 s5, $0x0;
	s5 =	sld [smem:$0x3FAC]  }
0x2b: {  	s6 =	sld [smem:$0x3FAD]  }
0x2c: {  	s7 =	sld [smem:$0x3FAE]  }
0x2d: {  	s3 =	simm.s32 $0x108;
	s8 =	sld [smem:$0x3FAF]  }
0x2e: {  	s3 =	simm.s32 @!p0 $0x1082;
	s9 =	sld [smem:$0x3FB0]  }
0x2f: {  	lr =	sadd.s32 s0, s3;
	s0 =	sld [smem:$0x3FA7]  }
0x30: {  	s3 =	sld [smem:$0x3FAA]  }
0x31: {  	[smem:$0x3FB3] =	sst s10  }
0x32: {  	s10 =	sld [smem:$0x3FB1];
	_ =	sdelay $0x3  }
0x33: {  	p0 =	seq.s32 s10, $0x1;
	s10 =	sld [smem:$0x3FB3];
	_ =	sdelay $0x3  }
0x34: {  	[smem:$0x3FB3] =	sst s10  }
0x35: {  	s10 =	sld [smem:$0x3FB2];
	_ =	sdelay $0x3  }
0x36: {  	p1 =	seq.s32 s10, $0x1;
	s10 =	sld [smem:$0x3FB3];
	_ =	sdelay $0x3  }
0x37: {  	[smem:$0x3FB3] =	sst s10  }
0x38: {  	s10 =	sld [smem:$0x3FB4]  }
0x39: {  	_ = 	snop;
	(pc) =	sbr.ind lr, $3  }
0x3a: {  	_ = 	snop  }
0x3b: {  	_ = 	snop  }
0x3c: {  	p2 =	seq.s32 s10, $0x1;
	s10 =	sld [smem:$0x3FB3]  }
0x3d: {  	_ =	shalt  }
0x3e: {  	_ =	shalt  }
0x3f: {  	_ =	shalt  }
0x40: {  	_ =	shalt  }
0x41: {  	_ =	shalt  }
0x42: {  	_ =	shalt  }
0x43: {  	_ =	shalt  }
0x44: {  	_ =	shalt  }
0x45: {  	_ =	shalt  }
0x46: {  	_ =	shalt  }
0x47: {  	_ =	shalt  }
0x48: {  	_ =	shalt  }
0x49: {  	_ =	shalt  }
0x4a: {  	_ =	shalt  }
0x4b: {  	_ =	shalt  }
0x4c: {  	_ =	shalt  }
0x4d: {  	_ =	shalt  }
0x4e: {  	_ =	shalt  }
0x4f: {  	_ =	shalt  }
0x50: {  	_ =	shalt  }
0x51: {  	_ =	shalt  }
0x52: {  	_ =	shalt  }
0x53: {  	_ =	shalt  }
0x54: {  	_ =	shalt  }
0x55: {  	_ =	shalt  }
0x56: {  	_ =	shalt  }
0x57: {  	_ =	shalt  }
0x58: {  	_ =	shalt  }
0x59: {  	_ =	shalt  }
0x5a: {  	_ =	shalt  }
0x5b: {  	_ =	shalt  }
0x5c: {  	_ =	shalt  }
0x5d: {  	_ =	shalt  }
0x5e: {  	_ =	shalt  }
0x5f: {  	_ =	shalt  }
0x60: {  	_ =	shalt  }
0x61: {  	_ =	shalt  }
0x62: {  	_ =	shalt  }
0x63: {  	_ =	shalt  }
0x64: {  	_ =	shalt  }
0x65: {  	_ =	shalt  }
0x66: {  	_ =	shalt  }
0x67: {  	_ =	shalt  }
0x68: {  	_ =	shalt  }
0x69: {  	_ =	shalt  }
0x6a: {  	_ =	shalt  }
0x6b: {  	_ =	shalt  }
0x6c: {  	_ =	shalt  }
0x6d: {  	_ =	shalt  }
0x6e: {  	_ =	shalt  }
0x6f: {  	_ =	shalt  }
0x70: {  	_ =	shalt  }
0x71: {  	_ =	shalt  }
0x72: {  	_ =	shalt  }
0x73: {  	_ =	shalt  }
0x74: {  	_ =	shalt  }
0x75: {  	_ =	shalt  }
0x76: {  	_ =	shalt  }
0x77: {  	_ =	shalt  }
0x78: {  	_ =	shalt  }
0x79: {  	_ =	shalt  }
0x7a: {  	_ =	shalt  }
0x7b: {  	_ =	shalt  }
0x7c: {  	_ =	shalt  }
0x7d: {  	_ =	shalt  }
0x7e: {  	_ =	shalt  }
0x7f: {  	_ =	shalt  }
0x80: {  	_ =	shalt  }
0x81: {  	_ =	shalt  }
0x82: {  	_ =	shalt  }
0x83: {  	_ =	shalt  }
0x84: {  	_ =	shalt  }
0x85: {  	_ =	shalt  }
0x86: {  	_ =	shalt  }
0x87: {  	_ =	shalt  }
.Lfunc_end0:
.L_simem_size_0:
called_computation_lowered:
.L_overlay_start_0:
0x88: {  	s2 =	sld [smem:$0x3FD9]  }
0x89: {  	s3 =	sld [smem:$0x3FFE];
	_ =	sdelay $0x1  }
0x8a: {  	s1 =	srdreg.scid  }
0x8b: {  	s0 =	sand.u32 $0x1, s1  }
0x8c: {  	s15 =	sshll.u32 s0, $0xA;
	s2 =	sadd.s32 s3, s2  }
0x8d: {  	s2 =	sadd.s32 s2, s15  }
0x8e: {  	[smem:$0x3FBF] =	sst s2  }
0x8f: {  	_ = 	snop  }
0x90: {  	s16 =	sld [smem:$0x3FD0];
	_ =	sdelay $0x2  }
0x91: {  	s4 =	simm.s32 $0xB;
	s5 =	simm.s32 $0x10;
	s2 =	sld [smem:$0x3FC7]  }
0x92: {  	[smem:s5], [sflag:s4] =	dma.local [hbm:s16], $0x1  }
0x93: {  	_ =	swait.eq [sflag:s4], $0x1  }
0x94: {  	[sflag:s4] =	ssyncset.done $0x0  }
0x95: {  	[sflag:s4] =	ssyncadd.s32 $0xFFFFFFFF  }
0x96: {  	s17 =	sld [smem:$0x12];
	(tm) =	ssettm $0x1  }
0x97: {  	s18 =	sld [smem:$0x3FFB];
	_ =	sdelay $0x3  }
0x98: {  	_ =	strace s18  }
0x99: {  	s3 =	sld [smem:$0x3FFC];
	_ =	sdelay $0x3  }
0x9a: {  	_ =	strace s3  }
0x9b: {  	s3 =	sld [smem:$0x3FFD];
	_ =	sdelay $0x3  }
0x9c: {  	_ =	strace s3  }
0x9d: {  	_ =	strace $0x8FFFFFFF  }
0x9e: {  	s19 =	sld [smem:$0x3FDB];
	_ =	sdelay $0x1  }
0x9f: {  	s20 =	simm.s32 $_scs_section_size  }
0xa0: {  	s6 =	simm.s32 $_size__tile_overlayer_lowered;
	s7 =	simm.s32 $_tile_overlayer_lowered  }
0xa1: {  	s8 =	simm.s32 $0x1BFF;
	s21 =	sshll.u32 s7, $0x1;
	s5 =	sadd.s32 s20, s19  }
0xa2: {  	s22 =	simm.s32 $0x0;
	s6 =	sshll.u32 s6, $0x1;
	s7 =	sadd.s32 s21, s5  }
0xa3: {  	[timem:s22], [sflag:s8] =	dma.local [hbm:s7], s6  }
0xa4: {  	_ =	swait.ge [sflag:s8], s6  }
0xa5: {  	s6 =	ssub.s32 $0x0, s6;
	[sflag:s8] =	ssyncset.done $0x0  }
0xa6: {  	[sflag:s8] =	ssyncadd.s32 s6;
	_ =	sdelay $0x1  }
0xa7: {  	s23 =	simm.s32 $0x1B8B  }
0xa8: {  	_ =	swait.ge [sflag:s23], $0x1  }
0xa9: {  	[sflag:s23] =	ssyncset.done $0x0  }
0xaa: {  	[sflag:s23] =	ssyncadd.s32 $0xFFFFFFFF  }
0xab: {  	s6 =	sld [smem:$0x0]  }
0xac: {  	s7 =	sand.u32 $0xFFFFFFFE, s1  }
0xad: {  	p0 =	sne.s32 s1, s7  }
0xae: {  	s7 =	sshll.u32 @p0 s7, $0xE  }
0xaf: {  	s7 =	sadd.s32 @p0 $0x11B8D, s7;
	s8 =	sshll.u32 @p0 s6, $0x11  }
0xb0: {  	s7 =	sor.u32 @p0 s8, s7  }
0xb1: {  	[sflag:s7] =	ssyncadd.remote.s32 @p0 $0x1;
	_ =	sdelay $0x1  }
0xb2: {  	s7 =	simm.s32 @p0 $0x1B8D  }
0xb3: {  	_ =	swait.eq @p0 [sflag:s7], $0x1  }
0xb4: {  	[sflag:s7] =	ssyncadd.s32 @p0 $0xFFFFFFFF  }
0xb5: {  	s8 =	sshll.u32 @!p0 s1, $0xE  }
0xb6: {  	s8 =	sor.u32 @!p0 $0x4000, s8;
	s7 =	simm.s32 @!p0 $0x1B8D  }
0xb7: {  	s6 =	sshll.u32 @!p0 s6, $0x11;
	s8 =	sadd.s32 @!p0 $0x11B8D, s8;
	_ =	swait.eq @!p0 [sflag:s7], $0x1  }
0xb8: {  	s6 =	sor.u32 @!p0 s6, s8;
	[sflag:s7] =	ssyncadd.s32 @!p0 $0xFFFFFFFF  }
0xb9: {  	s25 =	simm.s32 $0x1B8E;
	s24 =	sld [smem:$0x3FFE];
	[sflag:s6] =	ssyncadd.remote.s32 @!p0 $0x1  }
0xba: {  	s26 =	simm.s32 $execute0_lowered;
	[smem:$0x3FD2] =	sst s25  }
0xbb: {  	s7 =	sshll.u32 s26, $0x1;
	_ =	strace $0x8000004C;
	[dreg:$0x1] =	wrdreg $0xFFFFFFFF  }
0xbc: {  	s28 =	simm.s32 $_size_execute0_lowered;
	s5 =	sadd.s32 s5, s7;
	[dreg:$0x0] =	wrdreg $0x0  }
0xbd: {  	s7 =	sshll.u32 s28, $0x1;
	[dreg:$0x2] =	wrdreg s5  }
0xbe: {  	[dreg:$0x3] =	wrdreg s7  }
0xbf: {  	[dreg:$0x4] =	wrdreg $0xC0  }
0xc0: {  	_ =	task [dreg:s22], $0x5FFFF  }
0xc1: {  	[dreg:$0x1] =	wrdreg $0xFFFFFFFF  }
0xc2: {  	[dreg:$0x0] =	wrdreg $0x60  }
0xc3: {  	[dreg:$0x2] =	wrdreg s2  }
0xc4: {  	[dreg:$0x3] =	wrdreg s24  }
0xc5: {  	[dreg:$0x4] =	wrdreg s17  }
0xc6: {  	[dreg:$0x5] =	wrdreg $0x9  }
0xc7: {  	_ =	task.clear_ibuf [dreg:s22], $0x6FFFF;
	_ =	strace $0x9000004C  }
0xc8: {  	s29 =	simm.s32 $0x9;
	_ =	strace $0x8000004E  }
0xc9: {  	_ =	swait.ge [sflag:s29], $0x1  }
0xca: {  	[sflag:s29] =	ssyncadd.s32 $0xFFFFFFFF  }
0xcb: {  	_ =	strace $0x9000004E  }
0xcc: {  	_ =	sfence  }
0xcd: {  	s30 =	sld [smem:$0x0];
	_ =	sdelay $0x2  }
0xce: {  	s31 =	sshll.u32 s1, $0xD;
	s1 =	sshrl.u32 s1, $0x2  }
0xcf: {  	s4 =	sand.u32 $0x4000, s31;
	s1 =	sadd.s32 s1, s30  }
0xd0: {  	s0 =	sor.u32 s4, s0;
	s1 =	sshll.u32 s1, $0x11  }
0xd1: {  	s0 =	sor.u32 s1, s0  }
0xd2: {  	s0 =	sadd.s32 $0x8F2B, s0  }
0xd3: {  	[sflag:s0] =	ssyncadd.remote.s32 $0x1  }
0xd4: {  	_ =	sfence.sel $0xFFFF  }
0xd5: {  	[dreg:$0x0] =	wrdreg $0xFFFFFFFF;
	(pc) =	sbr.abs _section_cstart, $3  }
0xd6: {  	[dreg:$0x1] =	wrdreg $0xFFFFFFFF  }
0xd7: {  	_ =	task.clear_ibuf [dreg:s22], $0x2FFFF;
	_ =	strace $0x9FFFFFFF  }
0xd8: {  	(tm) =	ssettm $0x7FFFFFFF  }
0xd9: {  	_ =	shalt  }
tec
execute0_lowered:
.L_overlay_start_1:
0x0: {  	(tag) =	ssettag $0x1  }
0x1: {  	s2 =	rddreg [dreg:$0x0]  }
0x2: {  	s1 =	srdreg.scid;
	s5 =	rddreg [dreg:$0x1]  }
0x3: {  	s0 =	stileid.u32;
	s3 =	rddreg [dreg:$0x2]  }
0x4: {  	s9 =	simm.s32 $0x1;
	s10 =	simm.s32 $0x3;
	s1 =	sshll.u32 s1, $0x7  }
0x5: {  	s13 =	simm.s32 $0x0;
	s4 =	sshll.u32 s0, $0x8;
	s6 =	sand.u32 $0x80, s1  }
0x6: {  	s12 =	simm.s32 $0x0;
	s5 =	sadd.s32 $0x4200, s5;
	s4 =	sor.u32 s4, s6  }
0x7: {  	s1 =	rddreg [dreg:$0x3];
	_ =	strace $0x8000004D;
	s8 =	ssub.s32 $0x2000, s4  }
.Ltmp0:
0x8: {  	s6 =	simm.s32 $0x1;
	s7 =	sand.u32 $0xF80, s8;
	(pc) =	sbr.rel .LBB2_1-.Ltmp0, $4  }
0x9: {  	[sflag:s6] =	ssyncpa.u1 $0x0;
	s11 =	smov.u32 s4;
	p0 =	sne.s32 s7, $0x0  }
0xa: {  	s8 =	sshrl.u32 s8, $0xC;
	s7 =	simm.s32 $0x2;
	s9 =	simm.s32 @!p0 $0x0  }
0xb: {  	[sflag:s7] =	ssyncpa.u1 $0x0;
	p0 =	por $0x0, $0x0;
	s8 =	sadd.s32 s9, s8  }
0xc: {  	vm0 =	vmmov $0xffff;
	[sflag:s10] =	ssyncpa.u1 $0x0;
	s10 =	simm.s32 $0x0;
	s9 =	sadd.s32 $0x1, s8  }
.LBB2_4:
0xd: {  	v2 =	vnsel vm1, $0x0, v2  }
0xe: {  	vm1 =	vgt.s32 v0, $0x0;
	v2 =	vmin.u32 v2, $0xFFFF  }
0xf: {  	v0 =	vnsel vm1, $0x0, v0  }
0x10: {  	v0 =	vmin.u32 v0, $0xFFFF  }
0x11: {  	[tilespmem:s15], [sflag:$0x1] =	stream.indirect_vreg.gather [hbm4b:s2+s10], $0x1, v1, vm0, $0x4038;
	[tilespmem:$0x200] =	vst v63  }
0x12: {  	(ifvalue) =	ssetifvalue $0x7FFFFFFF  }
0x13: {  	[tilespmem:s16], [sflag:$0x1] =	stream.indirect_vreg.gather [hbm4b:s2+s10], $0x1, v2, vm0, $0x4038;
	[tilespmem:$0x200] =	vst v63  }
0x14: {  	s29 =	sadd.s32 $0x10, s16;
	(ifvalue) =	ssetifvalue $0x7FFFFFFF  }
0x15: {  	[tilespmem:s29], [sflag:$0x1] =	stream.indirect_vreg.gather [hbm4b:s2+s10], $0x1, v0, vm0, $0x4038;
	[tilespmem:$0x200] =	vst v63  }
0x16: {  	_ =	swait.ge [sflag:s6], $0x80  }
0x17: {  	s30 =	sshrl.u32 s13, $0x3;
	[sflag:s6] =	ssyncset.done $0x0  }
0x18: {  	s31 =	sand.u32 $0x7, s13;
	s15 =	sadd.s32 s3, s30;
	[sflag:s6] =	ssyncadd.s32 $0xFFFFFF80  }
0x19: {  	[hbm4b:s15+s31] =	stream.linear.scatter [tilespmem:s14], [sflag:$0x3], $0x80, $0x38;
	[tilespmem:$0x200] =	vst v63  }
.LBB2_5:
0x1a: {  	s15 =	sadd.s32 $0x1000, s11  }
0x1b: {  	p2 =	sgt.s32 s15, $0x1FFF  }
0x1c: {  	s15 =	smov.u32 @p2 s4;
	p2 =	sne.s32 s12, s9  }
.Ltmp1:
0x1d: {  	p1 =	slt.u32 s12, $0x2;
	(pc) =	sbr.rel @!p2 .LBB2_6-.Ltmp1, $4  }
0x1e: {  	s14 =	simm.s32 @!p1 $0x3  }
0x1f: {  	s16 =	sadd.s32 $0x1, s12;
	_ =	swait.ge @!p1 [sflag:s14], $0x80  }
0x20: {  	s13 =	smov.u32 s11;
	p0 =	por !p0, !p0;
	[sflag:s14] =	ssyncset.done @!p1 $0x0  }
0x21: {  	s12 =	smov.u32 s16;
	s11 =	smov.u32 s15;
	[sflag:s14] =	ssyncadd.s32 @!p1 $0xFFFFFF80  }
.LBB2_1:
0x22: {  	p1 =	sge.u32 s12, s8  }
0x23: {  	s14 =	sxor.u32 @!p1 $0xFFFFFFFF, s12  }
0x24: {  	s31 =	sadd.s32 $0xFFFFFFFF, s12;
	s15 =	sshrl.u32 @!p1 s11, $0x3;
	s14 =	sshll.u32 @!p1 s14, $0x7  }
0x25: {  	s16 =	sand.u32 @!p1 $0x7, s11;
	s15 =	sadd.s32 @!p1 s5, s15;
	s14 =	sand.u32 @!p1 $0x80, s14  }
0x26: {  	[tilespmem:s14], [sflag:$0x2] =	stream.linear.gather @!p1 [hbm4b:s15+s16], $0x80, $0x38;
	[tilespmem:$0x200] =	vst v63  }
0x27: {  	p1 =	sge.u32 s31, s8  }
.Ltmp2:
0x28: {  	_ = 	snop;
	(pc) =	sbr.rel @p1 .LBB2_5-.Ltmp2, $1  }
0x29: {  	_ =	sdelay $0x3  }
0x2a: {  	s14 =	simm.s32 $0x1  }
0x2b: {  	_ =	swait.ge [sflag:s7], $0x80;
	s14 =	simm.s32 @!p0 $0x0  }
0x2c: {  	[sflag:s7] =	ssyncset.done $0x0;
	s14 =	sshll.u32 s14, $0x7  }
0x2d: {  	[sflag:s7] =	ssyncadd.s32 $0xFFFFFF80;
	(ifvalue) =	ssetifvalue $0x7FFFFFFF;
	v0 =	vld.msk [tilespmem:s14+$0x0 ss:$0x1], $0xffff;
	_ =	sdelay $0x4  }
0x2e: {  	s15 =	sadd.s32 $0x10, s14;
	vm1 =	vgt.s32 v0, $0x0  }
0x2f: {  	v2 =	vld.msk [tilespmem:s15+$0x0 ss:$0x1], $0xffff;
	v1 =	vnsel vm1, $0x0, v0  }
0x30: {  	v1 =	vmin.u32 v1, $0xFFFF;
	_ =	sdelay $0x1  }
0x31: {  	s16 =	sshll.u32 s12, $0x7;
	s18 =	simm.s32 $0x20  }
0x32: {  	s16 =	sand.u32 $0x80, s16;
	s17 =	sadd.s32 $0x10, s15;
	s15 =	sor.u32 $0x100, s14  }
0x33: {  	s14 =	sor.u32 $0x100, s16;
	s16 =	sadd.s32 $0x10, s15;
	v0 =	vld.msk [tilespmem:s17+$0x0 ss:$0x1], $0xffff;
	vm1 =	vgt.s32 v2, $0x0;
	(ifvalue) =	ssetifvalue $0x7FFFFFFF  }
.LBB2_3:
0x34: {  	[tilespmem:s15], [sflag:$0x1] =	stream.indirect_vreg.gather [hbm4b:s2+s10], $0x1, v1, vm0, $0x4038;
	[tilespmem:$0x200] =	vst v63  }
0x35: {  	s18 =	sadd.s32 $0x10, s18  }
0x36: {  	v2 =	vnsel vm1, $0x0, v2;
	p1 =	slt.u32 s18, $0x70  }
.Ltmp3:
0x37: {  	s15 =	smov.u32 s16;
	v1 =	vmin.u32 v2, $0xFFFF;
	(pc) =	sbr.rel @p1 .LBB2_3-.Ltmp3, $3  }
0x38: {  	_ =	sdelay $0x1  }
0x39: {  	s17 =	sadd.s32 $0x10, s17  }
0x3a: {  	vm1 =	vgt.s32 v0, $0x0;
	s16 =	sadd.s32 $0x10, s16;
	v2 =	vmov v0;
	(ifvalue) =	ssetifvalue $0x7FFFFFFF;
	v0 =	vld.msk [tilespmem:s17+$0x0 ss:$0x1], $0xffff  }
.Ltmp4:
0x3b: {  	_ = 	snop;
	(pc) =	sbr.rel .LBB2_4-.Ltmp4, $1  }
0x3c: {  	_ =	sdelay $0x3  }
.LBB2_6:
0x3d: {  	_ =	sfence.sel $0x180000  }
0x3e: {  	s2 =	simm.s32 $0x2;
	[bflag:$0x0] =	sbarrier.arrive $0xFFFF  }
0x3f: {  	s30 =	simm.s32 $0x3;
	[sflag:s2] =	ssyncpa.u1 $0x1  }
0x40: {  	s31 =	simm.s32 $0x1;
	[sflag:s30] =	ssyncpa.u1 $0x1  }
0x41: {  	[sflag:s31] =	ssyncpa.u1 $0x1  }
0x42: {  	p0 =	sne.s32 s0, $0x0;
	_ =	strace $0x9000004D  }
0x43: {  	s0 =	sadd.s32 @!p0 $0x100000, s1;
	[bflag:$0x2] =	sbarrier.arrive $0xFFFF  }
0x44: {  	[sflag:s0] =	ssyncadd.tile.s32 @!p0 $0x1;
	_ =	shalt  }
.Lfunc_end2:
_tile_overlayer_lowered:
.L_overlay_start_2:
0x45: {  	(tag) =	ssettag $0x2  }
0x46: {  	s0 =	rddreg [dreg:$0x0];
	s2 =	stileid.u32  }
0x47: {  	s1 =	rddreg [dreg:$0x1];
	p0 =	sne.s32 s2, $0x0  }
0x48: {  	s3 =	rddreg [dreg:$0x2];
	[bflag:$0x3] =	sbarrier.arrive $0xFFFF;
	s2 =	simm.s32 @!p0 $0x1C01  }
0x49: {  	[timem:s3], [sflag:s2] =	dma.local @!p0 [hbm:s0], s1  }
0x4a: {  	s0 =	simm.s32 @!p0 $0x1  }
0x4b: {  	_ =	swait.ge @!p0 [sflag:s0], s1  }
0x4c: {  	s1 =	ssub.s32 @!p0 $0x0, s1;
	[sflag:s0] =	ssyncset.done @!p0 $0x0  }
0x4d: {  	[sflag:s0] =	ssyncadd.s32 @!p0 s1  }
0x4e: {  	[bflag:$0x3] =	sbarrier.arrive $0xFFFF  }
0x4f: {  	_ =	shalt  }

// kernel: kernel.10.cloned.1.call-start
scs
__scs_entry_jumppad:
0x0: {  	(pc) =	sbr.rel $0x88, $3  }
0x1: {  	(tag) =	ssettag $0x0;
	lr =	simm.s32 $0x1  }
0x2: {  	[smem:$0x3F98] =	sst lr;
	_ =	strace $0xD0000000  }
0x3: {  	_ = 	snop  }
0x4: {  	_ = 	snop  }
0x5: {  	_ = 	snop  }
0x6: {  	_ = 	snop  }
0x7: {  	_ = 	snop  }
__scs_overlays_trampoline_lowered:
0x8: {  	[smem:$0x3FA7] =	sst s0  }
0x9: {  	[smem:$0x3FA8] =	sst s1  }
0xa: {  	[smem:$0x3FA9] =	sst s2  }
0xb: {  	[smem:$0x3FAA] =	sst s3  }
0xc: {  	[smem:$0x3FAB] =	sst s4  }
0xd: {  	[smem:$0x3FAC] =	sst s5  }
0xe: {  	[smem:$0x3FAD] =	sst s6  }
0xf: {  	[smem:$0x3FAE] =	sst s7  }
0x10: {  	[smem:$0x3FAF] =	sst s8  }
0x11: {  	[smem:$0x3FB0] =	sst s9;
	s0 =	simm.s32 @!p0 $0x0  }
0x12: {  	s1 =	sld [smem:$0x3F96];
	s0 =	simm.s32 @p0 $0x1  }
0x13: {  	[smem:$0x3FB1] =	sst s0;
	s0 =	simm.s32 @!p1 $0x0  }
0x14: {  	s2 =	sld [smem:$0x3F95];
	s0 =	simm.s32 @p1 $0x1  }
0x15: {  	[smem:$0x3FB2] =	sst s0;
	s0 =	simm.s32 @!p2 $0x0  }
0x16: {  	s3 =	sld [smem:$0x3FDB];
	s0 =	simm.s32 @p2 $0x1  }
0x17: {  	s4 =	simm.s32 $0x1BF5;
	[smem:$0x3FB4] =	sst s0  }
0x18: {  	s0 =	sld [smem:$0x3F97];
	_ =	swait.ge [sflag:s4], $0x0  }
0x19: {  	s7 =	sld [smem:$0x3F98]  }
0x1a: {  	s8 =	sadd.s32 $0xFFFFE003, lr  }
0x1b: {  	s9 =	sadd.s32 $0xFFFFFEF7, lr;
	s5 =	simm.s32 $0xFFFFFFFF;
	p2 =	slt.u32 s8, $0xFFFFF086  }
0x1c: {  	p1 =	slt.u32 s9, $0xF7A;
	s5 =	simm.s32 @!p2 $0x0  }
0x1d: {  	s5 =	simm.s32 @p1 $0x1;
	p0 =	seq.s32 s7, s2  }
0x1e: {  	s7 =	smul.u32 @!p0 $0xF7A, s2;
	p2 =	seq.s32 @!p0 s5, $0x0  }
0x1f: {  	s9 =	smul.u32 $0xF7A, s1;
	s8 =	simm.s32 @!p0 $0x1BF5;
	p2 =	por !p2, p0  }
0x20: {  	[sflag:s8] =	ssyncset.s32 @!p0 $0xFFFFF086;
	s6 =	sadd.s32 @!p0 s3, s7;
	s7 =	simm.s32 @!p0 $0x108  }
0x21: {  	s3 =	sadd.s32 s3, s9;
	s6 =	sadd.s32 @!p0 $0x88, s6;
	s7 =	simm.s32 @p2 $0x1082  }
0x22: {  	[simem:s7], [sflag:s8] =	dma.local @!p0 [hbm:s6], $0xF7A  }
0x23: {  	s9 =	sor.u32 $0xD0000000, s2;
	s6 =	simm.s32 $0x108;
	_ =	swait.ge @!p0 [sflag:s8], $0x0  }
0x24: {  	s3 =	sadd.s32 $0x88, s3;
	s6 =	simm.s32 @!p1 $0x1082;
	[sflag:s4] =	ssyncset.s32 $0xFFFFF086  }
0x25: {  	[simem:s6], [sflag:s4] =	dma.local [hbm:s3], $0xF7A  }
0x26: {  	[smem:$0x3F98] =	sst s1;
	(tag) =	ssettag s2;
	_ =	strace s9  }
0x27: {  	s1 =	sld [smem:$0x3FA8]  }
0x28: {  	s2 =	sld [smem:$0x3FA9]  }
0x29: {  	s4 =	sld [smem:$0x3FAB]  }
0x2a: {  	p0 =	seq.s32 s5, $0x0;
	s5 =	sld [smem:$0x3FAC]  }
0x2b: {  	s6 =	sld [smem:$0x3FAD]  }
0x2c: {  	s7 =	sld [smem:$0x3FAE]  }
0x2d: {  	s3 =	simm.s32 $0x108;
	s8 =	sld [smem:$0x3FAF]  }
0x2e: {  	s3 =	simm.s32 @!p0 $0x1082;
	s9 =	sld [smem:$0x3FB0]  }
0x2f: {  	lr =	sadd.s32 s0, s3;
	s0 =	sld [smem:$0x3FA7]  }
0x30: {  	s3 =	sld [smem:$0x3FAA]  }
0x31: {  	[smem:$0x3FB3] =	sst s10  }
0x32: {  	s10 =	sld [smem:$0x3FB1];
	_ =	sdelay $0x3  }
0x33: {  	p0 =	seq.s32 s10, $0x1;
	s10 =	sld [smem:$0x3FB3];
	_ =	sdelay $0x3  }
0x34: {  	[smem:$0x3FB3] =	sst s10  }
0x35: {  	s10 =	sld [smem:$0x3FB2];
	_ =	sdelay $0x3  }
0x36: {  	p1 =	seq.s32 s10, $0x1;
	s10 =	sld [smem:$0x3FB3];
	_ =	sdelay $0x3  }
0x37: {  	[smem:$0x3FB3] =	sst s10  }
0x38: {  	s10 =	sld [smem:$0x3FB4]  }
0x39: {  	_ = 	snop;
	(pc) =	sbr.ind lr, $3  }
0x3a: {  	_ = 	snop  }
0x3b: {  	_ = 	snop  }
0x3c: {  	p2 =	seq.s32 s10, $0x1;
	s10 =	sld [smem:$0x3FB3]  }
0x3d: {  	_ =	shalt  }
0x3e: {  	_ =	shalt  }
0x3f: {  	_ =	shalt  }
0x40: {  	_ =	shalt  }
0x41: {  	_ =	shalt  }
0x42: {  	_ =	shalt  }
0x43: {  	_ =	shalt  }
0x44: {  	_ =	shalt  }
0x45: {  	_ =	shalt  }
0x46: {  	_ =	shalt  }
0x47: {  	_ =	shalt  }
0x48: {  	_ =	shalt  }
0x49: {  	_ =	shalt  }
0x4a: {  	_ =	shalt  }
0x4b: {  	_ =	shalt  }
0x4c: {  	_ =	shalt  }
0x4d: {  	_ =	shalt  }
0x4e: {  	_ =	shalt  }
0x4f: {  	_ =	shalt  }
0x50: {  	_ =	shalt  }
0x51: {  	_ =	shalt  }
0x52: {  	_ =	shalt  }
0x53: {  	_ =	shalt  }
0x54: {  	_ =	shalt  }
0x55: {  	_ =	shalt  }
0x56: {  	_ =	shalt  }
0x57: {  	_ =	shalt  }
0x58: {  	_ =	shalt  }
0x59: {  	_ =	shalt  }
0x5a: {  	_ =	shalt  }
0x5b: {  	_ =	shalt  }
0x5c: {  	_ =	shalt  }
0x5d: {  	_ =	shalt  }
0x5e: {  	_ =	shalt  }
0x5f: {  	_ =	shalt  }
0x60: {  	_ =	shalt  }
0x61: {  	_ =	shalt  }
0x62: {  	_ =	shalt  }
0x63: {  	_ =	shalt  }
0x64: {  	_ =	shalt  }
0x65: {  	_ =	shalt  }
0x66: {  	_ =	shalt  }
0x67: {  	_ =	shalt  }
0x68: {  	_ =	shalt  }
0x69: {  	_ =	shalt  }
0x6a: {  	_ =	shalt  }
0x6b: {  	_ =	shalt  }
0x6c: {  	_ =	shalt  }
0x6d: {  	_ =	shalt  }
0x6e: {  	_ =	shalt  }
0x6f: {  	_ =	shalt  }
0x70: {  	_ =	shalt  }
0x71: {  	_ =	shalt  }
0x72: {  	_ =	shalt  }
0x73: {  	_ =	shalt  }
0x74: {  	_ =	shalt  }
0x75: {  	_ =	shalt  }
0x76: {  	_ =	shalt  }
0x77: {  	_ =	shalt  }
0x78: {  	_ =	shalt  }
0x79: {  	_ =	shalt  }
0x7a: {  	_ =	shalt  }
0x7b: {  	_ =	shalt  }
0x7c: {  	_ =	shalt  }
0x7d: {  	_ =	shalt  }
0x7e: {  	_ =	shalt  }
0x7f: {  	_ =	shalt  }
0x80: {  	_ =	shalt  }
0x81: {  	_ =	shalt  }
0x82: {  	_ =	shalt  }
0x83: {  	_ =	shalt  }
0x84: {  	_ =	shalt  }
0x85: {  	_ =	shalt  }
0x86: {  	_ =	shalt  }
0x87: {  	_ =	shalt  }
.Lfunc_end0:
.L_simem_size_0:
called_computation.2_lowered:
.L_overlay_start_0:
0x88: {  	s2 =	sld [smem:$0x3FD9]  }
0x89: {  	s3 =	sld [smem:$0x3FFE];
	_ =	sdelay $0x1  }
0x8a: {  	s1 =	srdreg.scid  }
0x8b: {  	s0 =	sand.u32 $0x1, s1  }
0x8c: {  	s14 =	sshll.u32 s0, $0xA;
	s2 =	sadd.s32 s3, s2  }
0x8d: {  	s2 =	sadd.s32 s2, s14  }
0x8e: {  	[smem:$0x3FBF] =	sst s2  }
0x8f: {  	_ = 	snop  }
0x90: {  	s2 =	sld [smem:$0x3FD0];
	_ =	sdelay $0x2  }
0x91: {  	s15 =	simm.s32 $0xB;
	s4 =	simm.s32 $0x10  }
0x92: {  	[smem:s4], [sflag:s15] =	dma.local [hbm:s2], $0x1  }
0x93: {  	_ =	swait.eq [sflag:s15], $0x1  }
0x94: {  	[sflag:s15] =	ssyncset.done $0x0  }
0x95: {  	[sflag:s15] =	ssyncadd.s32 $0xFFFFFFFF  }
0x96: {  	s16 =	sld [smem:$0x10];
	(tm) =	ssettm $0x1  }
0x97: {  	s17 =	sld [smem:$0x3FFB];
	_ =	sdelay $0x3  }
0x98: {  	_ =	strace s17  }
0x99: {  	s3 =	sld [smem:$0x3FFC];
	_ =	sdelay $0x3  }
0x9a: {  	_ =	strace s3  }
0x9b: {  	s3 =	sld [smem:$0x3FFD];
	_ =	sdelay $0x3  }
0x9c: {  	_ =	strace s3  }
0x9d: {  	_ =	strace $0x8FFFFFFF  }
0x9e: {  	s18 =	sld [smem:$0x3FDB];
	_ =	sdelay $0x1  }
0x9f: {  	s19 =	simm.s32 $_scs_section_size  }
0xa0: {  	s5 =	simm.s32 $_size__tile_overlayer_lowered;
	s6 =	simm.s32 $_tile_overlayer_lowered  }
0xa1: {  	s22 =	simm.s32 $0x1BFF;
	s21 =	sshll.u32 s6, $0x1;
	s3 =	sadd.s32 s19, s18  }
0xa2: {  	s7 =	simm.s32 $0x0;
	s20 =	sshll.u32 s5, $0x1;
	s5 =	sadd.s32 s21, s3  }
0xa3: {  	[timem:s7], [sflag:s22] =	dma.local [hbm:s5], s20  }
0xa4: {  	_ =	swait.ge [sflag:s22], s20  }
0xa5: {  	s4 =	ssub.s32 $0x0, s20;
	[sflag:s22] =	ssyncset.done $0x0  }
0xa6: {  	[sflag:s22] =	ssyncadd.s32 s4;
	_ =	sdelay $0x1  }
0xa7: {  	s23 =	simm.s32 $0x1B8B  }
0xa8: {  	_ =	swait.ge [sflag:s23], $0x1  }
0xa9: {  	[sflag:s23] =	ssyncset.done $0x0  }
0xaa: {  	s25 =	simm.s32 $0x1B8E;
	s24 =	sld [smem:$0x3FFE];
	[sflag:s23] =	ssyncadd.s32 $0xFFFFFFFF  }
0xab: {  	s26 =	simm.s32 $execute0_lowered;
	[smem:$0x3FD2] =	sst s25  }
0xac: {  	s5 =	sshll.u32 s26, $0x1;
	_ =	strace $0x80000049;
	[dreg:$0x1] =	wrdreg $0xFFFFFFFF  }
0xad: {  	s28 =	simm.s32 $_size_execute0_lowered;
	s3 =	sadd.s32 s3, s5;
	[dreg:$0x0] =	wrdreg $0x0  }
0xae: {  	s5 =	sshll.u32 s28, $0x1;
	[dreg:$0x2] =	wrdreg s3  }
0xaf: {  	[dreg:$0x3] =	wrdreg s5  }
0xb0: {  	[dreg:$0x4] =	wrdreg $0xC0  }
0xb1: {  	_ =	task [dreg:s7], $0x5FFFF  }
0xb2: {  	[dreg:$0x1] =	wrdreg $0xFFFFFFFF  }
0xb3: {  	[dreg:$0x0] =	wrdreg $0x60  }
0xb4: {  	[dreg:$0x2] =	wrdreg s24  }
0xb5: {  	[dreg:$0x3] =	wrdreg s16  }
0xb6: {  	[dreg:$0x4] =	wrdreg $0xA  }
0xb7: {  	_ =	task.clear_ibuf [dreg:s7], $0x5FFFF;
	_ =	strace $0x90000049  }
0xb8: {  	s29 =	simm.s32 $0xA;
	_ =	strace $0x8000004B  }
0xb9: {  	_ =	swait.ge [sflag:s29], $0x1  }
0xba: {  	[sflag:s29] =	ssyncadd.s32 $0xFFFFFFFF  }
0xbb: {  	_ =	strace $0x9000004B  }
0xbc: {  	_ =	sfence  }
0xbd: {  	s30 =	sld [smem:$0x0];
	_ =	sdelay $0x2  }
0xbe: {  	s31 =	sshll.u32 s1, $0xD;
	s1 =	sshrl.u32 s1, $0x2  }
0xbf: {  	s3 =	sand.u32 $0x4000, s31;
	s1 =	sadd.s32 s1, s30  }
0xc0: {  	s0 =	sor.u32 s3, s0;
	s1 =	sshll.u32 s1, $0x11  }
0xc1: {  	s0 =	sor.u32 s1, s0  }
0xc2: {  	s0 =	sadd.s32 $0x8F2B, s0  }
0xc3: {  	[sflag:s0] =	ssyncadd.remote.s32 $0x1  }
0xc4: {  	_ =	sfence.sel $0xFFFF  }
0xc5: {  	[dreg:$0x0] =	wrdreg $0xFFFFFFFF;
	(pc) =	sbr.abs _section_cstart, $3  }
0xc6: {  	[dreg:$0x1] =	wrdreg $0xFFFFFFFF  }
0xc7: {  	_ =	task.clear_ibuf [dreg:s7], $0x2FFFF;
	_ =	strace $0x9FFFFFFF  }
0xc8: {  	(tm) =	ssettm $0x7FFFFFFF  }
0xc9: {  	_ =	shalt  }
tec
execute0_lowered:
.L_overlay_start_1:
0x0: {  	(tag) =	ssettag $0x1  }
0x1: {  	s4 =	rddreg [dreg:$0x0]  }
0x2: {  	s6 =	rddreg [dreg:$0x1]  }
0x3: {  	s0 =	rddreg [dreg:$0x2];
	s2 =	simm.s32 $0x0;
	s1 =	stileid.u32  }
0x4: {  	s3 =	srdreg.scid;
	[smem:$0x7FF] =	sst s2  }
0x5: {  	s5 =	sshll.u32 s1, $0x13;
	s7 =	sand.u32 $0x1, s3;
	s3 =	sadd.s32 $0x605600, s4  }
0x6: {  	s9 =	sshll.u32 s1, $0xF;
	_ =	strace $0x8000004A;
	s5 =	sadd.s32 s5, s4  }
0x7: {  	s29 =	ssub.s32 $0x2, s7;
	s10 =	sshll.u32 s7, $0xE;
	s7 =	sshll.u32 s7, $0x12  }
0x8: {  	s8 =	sshrl.u32 s29, $0x1;
	s30 =	sor.u32 s10, s9;
	s5 =	sadd.s32 s7, s5  }
0x9: {  	s7 =	simm.s32 $0x2;
	s9 =	simm.s32 $0x1;
	s10 =	simm.s32 $0x0  }
0xa: {  	s4 =	ssub.s32 s29, s8;
	s31 =	sshrl.u32 s30, $0x3;
	s5 =	sadd.s32 $0x705600, s5  }
0xb: {  	s8 =	simm.s32 $0x100;
	s4 =	smax.u32 s4, $0x1;
	s6 =	sadd.s32 s31, s6  }
.LBB2_1:
0xc: {  	s11 =	sadd.s32 $0x0, s6  }
0xd: {  	[tilespmem:s2], [sflag:$0x2] =	stream.linear.gather [hbm4b:s11+s2], $0x100, $0x38;
	[tilespmem:$0x8100] =	vst v63  }
0xe: {  	_ =	swait.ge [sflag:s7], $0x100  }
0xf: {  	[sflag:s7] =	ssyncset.done $0x0  }
0x10: {  	[sflag:s7] =	ssyncadd.s32 $0xFFFFFF00  }
0x11: {  	[tilespmem:s8], [sflag:$0x1] =	stream.indirect.gather [hbm4b:s3+s8], $0x80, s2, s8, $0xb8;
	[tilespmem:$0x8100] =	vst v63  }
0x12: {  	_ =	swait.ge [sflag:s9], $0x8000  }
0x13: {  	[sflag:s9] =	ssyncset.done $0x0  }
0x14: {  	[sflag:s9] =	ssyncadd.s32 $0xFFFF8000  }
0x15: {  	[hbm4b:s5+s2] =	stream.linear.scatter [tilespmem:s8], [sflag:$0x2], $0x8000, $0x38;
	[tilespmem:$0x8100] =	vst v63  }
0x16: {  	s12 =	simm.s32 $0x20;
	_ =	swait.ge [sflag:s7], $0x8000  }
0x17: {  	s13 =	simm.s32 $0x40;
	s11 =	sadd.s32 $0x1000, s5;
	[sflag:s7] =	ssyncset.done $0x0  }
.LBB2_2:
0x18: {  	s14 =	sadd.s32 s12, s6  }
0x19: {  	[sflag:s7] =	ssyncadd.s32 $0xFFFF8000;
	s12 =	smov.u32 s13;
	s15 =	sadd.s32 $0x20, s13  }
0x1a: {  	[tilespmem:s2], [sflag:$0x2] =	stream.linear.gather [hbm4b:s14+s2], $0x100, $0x38;
	[tilespmem:$0x8100] =	vst v63  }
0x1b: {  	p0 =	sne.s32 s13, $0x7E0;
	_ =	swait.ge [sflag:s7], $0x100  }
0x1c: {  	[sflag:s7] =	ssyncset.done $0x0  }
0x1d: {  	[sflag:s7] =	ssyncadd.s32 $0xFFFFFF00  }
0x1e: {  	[tilespmem:s8], [sflag:$0x1] =	stream.indirect.gather [hbm4b:s3+s8], $0x80, s2, s8, $0xb8;
	[tilespmem:$0x8100] =	vst v63  }
0x1f: {  	_ =	swait.ge [sflag:s9], $0x8000  }
.Ltmp0:
0x20: {  	[sflag:s9] =	ssyncset.done $0x0;
	(pc) =	sbr.rel @p0 .LBB2_2-.Ltmp0, $4  }
0x21: {  	[sflag:s9] =	ssyncadd.s32 $0xFFFF8000  }
0x22: {  	[hbm4b:s11+s2] =	stream.linear.scatter [tilespmem:s8], [sflag:$0x2], $0x8000, $0x38;
	[tilespmem:$0x8100] =	vst v63  }
0x23: {  	_ =	swait.ge [sflag:s7], $0x8000  }
0x24: {  	s13 =	smov.u32 s15;
	s11 =	sadd.s32 $0x1000, s11;
	[sflag:s7] =	ssyncset.done $0x0  }
0x25: {  	s12 =	sadd.s32 s12, s6;
	[sflag:s7] =	ssyncadd.s32 $0xFFFF8000  }
0x26: {  	[tilespmem:s2], [sflag:$0x2] =	stream.linear.gather [hbm4b:s12+s2], $0x100, $0x38;
	[tilespmem:$0x8100] =	vst v63  }
0x27: {  	_ =	swait.ge [sflag:s7], $0x100  }
0x28: {  	[sflag:s7] =	ssyncset.done $0x0  }
0x29: {  	[sflag:s7] =	ssyncadd.s32 $0xFFFFFF00  }
0x2a: {  	[tilespmem:s8], [sflag:$0x1] =	stream.indirect.gather [hbm4b:s3+s8], $0x80, s2, s8, $0xb8;
	[tilespmem:$0x8100] =	vst v63  }
0x2b: {  	s10 =	sadd.s32 $0x1, s10;
	_ =	swait.ge [sflag:s9], $0x8000  }
0x2c: {  	p0 =	sne.s32 s10, s4;
	[sflag:s9] =	ssyncset.done $0x0  }
.Ltmp1:
0x2d: {  	[sflag:s9] =	ssyncadd.s32 $0xFFFF8000;
	(pc) =	sbr.rel @p0 .LBB2_1-.Ltmp1, $4  }
0x2e: {  	[hbm4b:s11+s2] =	stream.linear.scatter [tilespmem:s8], [sflag:$0x2], $0x8000, $0x38;
	[tilespmem:$0x8100] =	vst v63  }
0x2f: {  	_ =	swait.ge [sflag:s7], $0x8000  }
0x30: {  	[sflag:s7] =	ssyncset.done $0x0  }
0x31: {  	[sflag:s7] =	ssyncadd.s32 $0xFFFF8000  }
0x32: {  	_ =	sfence.sel $0x180000  }
0x33: {  	[bflag:$0x0] =	sbarrier.arrive $0xFFFF  }
0x34: {  	p0 =	sne.s32 s1, $0x0;
	_ =	strace $0x9000004A  }
0x35: {  	s0 =	sadd.s32 @!p0 $0x100000, s0;
	[bflag:$0x2] =	sbarrier.arrive $0xFFFF  }
0x36: {  	[sflag:s0] =	ssyncadd.tile.s32 @!p0 $0x1;
	_ =	shalt  }
.Lfunc_end2:
_tile_overlayer_lowered:
.L_overlay_start_2:
0x37: {  	(tag) =	ssettag $0x2  }
0x38: {  	s0 =	rddreg [dreg:$0x0];
	s2 =	stileid.u32  }
0x39: {  	s1 =	rddreg [dreg:$0x1];
	p0 =	sne.s32 s2, $0x0  }
0x3a: {  	s3 =	rddreg [dreg:$0x2];
	[bflag:$0x3] =	sbarrier.arrive $0xFFFF;
	s2 =	simm.s32 @!p0 $0x1C02  }
0x3b: {  	[timem:s3], [sflag:s2] =	dma.local @!p0 [hbm:s0], s1  }
0x3c: {  	s0 =	simm.s32 @!p0 $0x2  }
0x3d: {  	_ =	swait.ge @!p0 [sflag:s0], s1  }
0x3e: {  	s1 =	ssub.s32 @!p0 $0x0, s1;
	[sflag:s0] =	ssyncset.done @!p0 $0x0  }
0x3f: {  	[sflag:s0] =	ssyncadd.s32 @!p0 s1  }
0x40: {  	[bflag:$0x3] =	sbarrier.arrive $0xFFFF  }
0x41: {  	_ =	shalt  }

// kernel: kernel.7.cloned.1.call-start
scs
__scs_entry_jumppad:
0x0: {  	(pc) =	sbr.rel $0x88, $3  }
0x1: {  	(tag) =	ssettag $0x0;
	lr =	simm.s32 $0x1  }
0x2: {  	[smem:$0x3F98] =	sst lr;
	_ =	strace $0xD0000000  }
0x3: {  	_ = 	snop  }
0x4: {  	_ = 	snop  }
0x5: {  	_ = 	snop  }
0x6: {  	_ = 	snop  }
0x7: {  	_ = 	snop  }
__scs_overlays_trampoline_lowered:
0x8: {  	[smem:$0x3FA7] =	sst s0  }
0x9: {  	[smem:$0x3FA8] =	sst s1  }
0xa: {  	[smem:$0x3FA9] =	sst s2  }
0xb: {  	[smem:$0x3FAA] =	sst s3  }
0xc: {  	[smem:$0x3FAB] =	sst s4  }
0xd: {  	[smem:$0x3FAC] =	sst s5  }
0xe: {  	[smem:$0x3FAD] =	sst s6  }
0xf: {  	[smem:$0x3FAE] =	sst s7  }
0x10: {  	[smem:$0x3FAF] =	sst s8  }
0x11: {  	[smem:$0x3FB0] =	sst s9;
	s0 =	simm.s32 @!p0 $0x0  }
0x12: {  	s1 =	sld [smem:$0x3F96];
	s0 =	simm.s32 @p0 $0x1  }
0x13: {  	[smem:$0x3FB1] =	sst s0;
	s0 =	simm.s32 @!p1 $0x0  }
0x14: {  	s2 =	sld [smem:$0x3F95];
	s0 =	simm.s32 @p1 $0x1  }
0x15: {  	[smem:$0x3FB2] =	sst s0;
	s0 =	simm.s32 @!p2 $0x0  }
0x16: {  	s3 =	sld [smem:$0x3FDB];
	s0 =	simm.s32 @p2 $0x1  }
0x17: {  	s4 =	simm.s32 $0x1BF5;
	[smem:$0x3FB4] =	sst s0  }
0x18: {  	s0 =	sld [smem:$0x3F97];
	_ =	swait.ge [sflag:s4], $0x0  }
0x19: {  	s7 =	sld [smem:$0x3F98]  }
0x1a: {  	s8 =	sadd.s32 $0xFFFFE003, lr  }
0x1b: {  	s9 =	sadd.s32 $0xFFFFFEF7, lr;
	s5 =	simm.s32 $0xFFFFFFFF;
	p2 =	slt.u32 s8, $0xFFFFF086  }
0x1c: {  	p1 =	slt.u32 s9, $0xF7A;
	s5 =	simm.s32 @!p2 $0x0  }
0x1d: {  	s5 =	simm.s32 @p1 $0x1;
	p0 =	seq.s32 s7, s2  }
0x1e: {  	s7 =	smul.u32 @!p0 $0xF7A, s2;
	p2 =	seq.s32 @!p0 s5, $0x0  }
0x1f: {  	s9 =	smul.u32 $0xF7A, s1;
	s8 =	simm.s32 @!p0 $0x1BF5;
	p2 =	por !p2, p0  }
0x20: {  	[sflag:s8] =	ssyncset.s32 @!p0 $0xFFFFF086;
	s6 =	sadd.s32 @!p0 s3, s7;
	s7 =	simm.s32 @!p0 $0x108  }
0x21: {  	s3 =	sadd.s32 s3, s9;
	s6 =	sadd.s32 @!p0 $0x88, s6;
	s7 =	simm.s32 @p2 $0x1082  }
0x22: {  	[simem:s7], [sflag:s8] =	dma.local @!p0 [hbm:s6], $0xF7A  }
0x23: {  	s9 =	sor.u32 $0xD0000000, s2;
	s6 =	simm.s32 $0x108;
	_ =	swait.ge @!p0 [sflag:s8], $0x0  }
0x24: {  	s3 =	sadd.s32 $0x88, s3;
	s6 =	simm.s32 @!p1 $0x1082;
	[sflag:s4] =	ssyncset.s32 $0xFFFFF086  }
0x25: {  	[simem:s6], [sflag:s4] =	dma.local [hbm:s3], $0xF7A  }
0x26: {  	[smem:$0x3F98] =	sst s1;
	(tag) =	ssettag s2;
	_ =	strace s9  }
0x27: {  	s1 =	sld [smem:$0x3FA8]  }
0x28: {  	s2 =	sld [smem:$0x3FA9]  }
0x29: {  	s4 =	sld [smem:$0x3FAB]  }
0x2a: {  	p0 =	seq.s32 s5, $0x0;
	s5 =	sld [smem:$0x3FAC]  }
0x2b: {  	s6 =	sld [smem:$0x3FAD]  }
0x2c: {  	s7 =	sld [smem:$0x3FAE]  }
0x2d: {  	s3 =	simm.s32 $0x108;
	s8 =	sld [smem:$0x3FAF]  }
0x2e: {  	s3 =	simm.s32 @!p0 $0x1082;
	s9 =	sld [smem:$0x3FB0]  }
0x2f: {  	lr =	sadd.s32 s0, s3;
	s0 =	sld [smem:$0x3FA7]  }
0x30: {  	s3 =	sld [smem:$0x3FAA]  }
0x31: {  	[smem:$0x3FB3] =	sst s10  }
0x32: {  	s10 =	sld [smem:$0x3FB1];
	_ =	sdelay $0x3  }
0x33: {  	p0 =	seq.s32 s10, $0x1;
	s10 =	sld [smem:$0x3FB3];
	_ =	sdelay $0x3  }
0x34: {  	[smem:$0x3FB3] =	sst s10  }
0x35: {  	s10 =	sld [smem:$0x3FB2];
	_ =	sdelay $0x3  }
0x36: {  	p1 =	seq.s32 s10, $0x1;
	s10 =	sld [smem:$0x3FB3];
	_ =	sdelay $0x3  }
0x37: {  	[smem:$0x3FB3] =	sst s10  }
0x38: {  	s10 =	sld [smem:$0x3FB4]  }
0x39: {  	_ = 	snop;
	(pc) =	sbr.ind lr, $3  }
0x3a: {  	_ = 	snop  }
0x3b: {  	_ = 	snop  }
0x3c: {  	p2 =	seq.s32 s10, $0x1;
	s10 =	sld [smem:$0x3FB3]  }
0x3d: {  	_ =	shalt  }
0x3e: {  	_ =	shalt  }
0x3f: {  	_ =	shalt  }
0x40: {  	_ =	shalt  }
0x41: {  	_ =	shalt  }
0x42: {  	_ =	shalt  }
0x43: {  	_ =	shalt  }
0x44: {  	_ =	shalt  }
0x45: {  	_ =	shalt  }
0x46: {  	_ =	shalt  }
0x47: {  	_ =	shalt  }
0x48: {  	_ =	shalt  }
0x49: {  	_ =	shalt  }
0x4a: {  	_ =	shalt  }
0x4b: {  	_ =	shalt  }
0x4c: {  	_ =	shalt  }
0x4d: {  	_ =	shalt  }
0x4e: {  	_ =	shalt  }
0x4f: {  	_ =	shalt  }
0x50: {  	_ =	shalt  }
0x51: {  	_ =	shalt  }
0x52: {  	_ =	shalt  }
0x53: {  	_ =	shalt  }
0x54: {  	_ =	shalt  }
0x55: {  	_ =	shalt  }
0x56: {  	_ =	shalt  }
0x57: {  	_ =	shalt  }
0x58: {  	_ =	shalt  }
0x59: {  	_ =	shalt  }
0x5a: {  	_ =	shalt  }
0x5b: {  	_ =	shalt  }
0x5c: {  	_ =	shalt  }
0x5d: {  	_ =	shalt  }
0x5e: {  	_ =	shalt  }
0x5f: {  	_ =	shalt  }
0x60: {  	_ =	shalt  }
0x61: {  	_ =	shalt  }
0x62: {  	_ =	shalt  }
0x63: {  	_ =	shalt  }
0x64: {  	_ =	shalt  }
0x65: {  	_ =	shalt  }
0x66: {  	_ =	shalt  }
0x67: {  	_ =	shalt  }
0x68: {  	_ =	shalt  }
0x69: {  	_ =	shalt  }
0x6a: {  	_ =	shalt  }
0x6b: {  	_ =	shalt  }
0x6c: {  	_ =	shalt  }
0x6d: {  	_ =	shalt  }
0x6e: {  	_ =	shalt  }
0x6f: {  	_ =	shalt  }
0x70: {  	_ =	shalt  }
0x71: {  	_ =	shalt  }
0x72: {  	_ =	shalt  }
0x73: {  	_ =	shalt  }
0x74: {  	_ =	shalt  }
0x75: {  	_ =	shalt  }
0x76: {  	_ =	shalt  }
0x77: {  	_ =	shalt  }
0x78: {  	_ =	shalt  }
0x79: {  	_ =	shalt  }
0x7a: {  	_ =	shalt  }
0x7b: {  	_ =	shalt  }
0x7c: {  	_ =	shalt  }
0x7d: {  	_ =	shalt  }
0x7e: {  	_ =	shalt  }
0x7f: {  	_ =	shalt  }
0x80: {  	_ =	shalt  }
0x81: {  	_ =	shalt  }
0x82: {  	_ =	shalt  }
0x83: {  	_ =	shalt  }
0x84: {  	_ =	shalt  }
0x85: {  	_ =	shalt  }
0x86: {  	_ =	shalt  }
0x87: {  	_ =	shalt  }
.Lfunc_end0:
.L_simem_size_0:
called_computation.1_lowered:
.L_overlay_start_0:
0x88: {  	s2 =	sld [smem:$0x3FD9]  }
0x89: {  	s3 =	sld [smem:$0x3FFE];
	_ =	sdelay $0x1  }
0x8a: {  	s1 =	srdreg.scid  }
0x8b: {  	s0 =	sand.u32 $0x1, s1  }
0x8c: {  	s14 =	sshll.u32 s0, $0xA;
	s2 =	sadd.s32 s3, s2  }
0x8d: {  	s2 =	sadd.s32 s2, s14  }
0x8e: {  	[smem:$0x3FBF] =	sst s2  }
0x8f: {  	_ = 	snop  }
0x90: {  	s2 =	sld [smem:$0x3FD0];
	_ =	sdelay $0x2  }
0x91: {  	s15 =	simm.s32 $0xB;
	s4 =	simm.s32 $0x10  }
0x92: {  	[smem:s4], [sflag:s15] =	dma.local [hbm:s2], $0x1  }
0x93: {  	_ =	swait.eq [sflag:s15], $0x1  }
0x94: {  	s16 =	sld [smem:$0x10];
	[sflag:s15] =	ssyncset.done $0x0  }
0x95: {  	s17 =	sld [smem:$0x11];
	[sflag:s15] =	ssyncadd.s32 $0xFFFFFFFF  }
0x96: {  	s18 =	sld [smem:$0x12];
	(tm) =	ssettm $0x1  }
0x97: {  	s5 =	sld [smem:$0x3FFB];
	_ =	sdelay $0x3  }
0x98: {  	_ =	strace s5  }
0x99: {  	s5 =	sld [smem:$0x3FFC];
	_ =	sdelay $0x3  }
0x9a: {  	_ =	strace s5  }
0x9b: {  	s5 =	sld [smem:$0x3FFD];
	_ =	sdelay $0x3  }
0x9c: {  	_ =	strace s5  }
0x9d: {  	_ =	strace $0x8FFFFFFF  }
0x9e: {  	s19 =	sld [smem:$0x3FDB];
	_ =	sdelay $0x1  }
0x9f: {  	s6 =	simm.s32 $_scs_section_size  }
0xa0: {  	s7 =	simm.s32 $_size__tile_overlayer_lowered;
	s8 =	simm.s32 $_tile_overlayer_lowered  }
0xa1: {  	s22 =	simm.s32 $0x1BFF;
	s21 =	sshll.u32 s8, $0x1;
	s5 =	sadd.s32 s6, s19  }
0xa2: {  	s9 =	simm.s32 $0x0;
	s20 =	sshll.u32 s7, $0x1;
	s7 =	sadd.s32 s21, s5  }
0xa3: {  	[timem:s9], [sflag:s22] =	dma.local [hbm:s7], s20  }
0xa4: {  	_ =	swait.ge [sflag:s22], s20  }
0xa5: {  	s6 =	ssub.s32 $0x0, s20;
	[sflag:s22] =	ssyncset.done $0x0  }
0xa6: {  	[sflag:s22] =	ssyncadd.s32 s6;
	_ =	sdelay $0x1  }
0xa7: {  	s23 =	simm.s32 $0x1B8B  }
0xa8: {  	_ =	swait.ge [sflag:s23], $0x1  }
0xa9: {  	[sflag:s23] =	ssyncset.done $0x0  }
0xaa: {  	s25 =	simm.s32 $0x1B8E;
	s24 =	sld [smem:$0x3FFE];
	[sflag:s23] =	ssyncadd.s32 $0xFFFFFFFF  }
0xab: {  	s26 =	simm.s32 $execute0_lowered;
	[smem:$0x3FD2] =	sst s25  }
0xac: {  	s7 =	sshll.u32 s26, $0x1;
	_ =	strace $0x80000046;
	[dreg:$0x1] =	wrdreg $0xFFFFFFFF  }
0xad: {  	s28 =	simm.s32 $_size_execute0_lowered;
	s5 =	sadd.s32 s5, s7;
	[dreg:$0x0] =	wrdreg $0x0  }
0xae: {  	s7 =	sshll.u32 s28, $0x1;
	[dreg:$0x2] =	wrdreg s5  }
0xaf: {  	[dreg:$0x3] =	wrdreg s7  }
0xb0: {  	[dreg:$0x4] =	wrdreg $0xC0  }
0xb1: {  	_ =	task [dreg:s9], $0x5FFFF  }
0xb2: {  	[dreg:$0x1] =	wrdreg $0xFFFFFFFF  }
0xb3: {  	[dreg:$0x0] =	wrdreg $0x60  }
0xb4: {  	[dreg:$0x2] =	wrdreg s24  }
0xb5: {  	[dreg:$0x3] =	wrdreg s18  }
0xb6: {  	[dreg:$0x4] =	wrdreg s17  }
0xb7: {  	[dreg:$0x5] =	wrdreg s16  }
0xb8: {  	[dreg:$0x6] =	wrdreg $0x9  }
0xb9: {  	_ =	task.clear_ibuf [dreg:s9], $0x7FFFF;
	_ =	strace $0x90000046  }
0xba: {  	s29 =	simm.s32 $0x9;
	_ =	strace $0x80000048  }
0xbb: {  	_ =	swait.ge [sflag:s29], $0x1  }
0xbc: {  	[sflag:s29] =	ssyncadd.s32 $0xFFFFFFFF  }
0xbd: {  	_ =	strace $0x90000048  }
0xbe: {  	_ =	sfence  }
0xbf: {  	s30 =	sld [smem:$0x0];
	_ =	sdelay $0x2  }
0xc0: {  	s31 =	sshll.u32 s1, $0xD;
	s1 =	sshrl.u32 s1, $0x2  }
0xc1: {  	s3 =	sand.u32 $0x4000, s31;
	s1 =	sadd.s32 s1, s30  }
0xc2: {  	s0 =	sor.u32 s3, s0;
	s1 =	sshll.u32 s1, $0x11  }
0xc3: {  	s0 =	sor.u32 s1, s0  }
0xc4: {  	s0 =	sadd.s32 $0x8F2B, s0  }
0xc5: {  	[sflag:s0] =	ssyncadd.remote.s32 $0x1  }
0xc6: {  	_ =	sfence.sel $0xFFFF  }
0xc7: {  	[dreg:$0x0] =	wrdreg $0xFFFFFFFF;
	(pc) =	sbr.abs _section_cstart, $3  }
0xc8: {  	[dreg:$0x1] =	wrdreg $0xFFFFFFFF  }
0xc9: {  	_ =	task.clear_ibuf [dreg:s9], $0x2FFFF;
	_ =	strace $0x9FFFFFFF  }
0xca: {  	(tm) =	ssettm $0x7FFFFFFF  }
0xcb: {  	_ =	shalt  }
tec
execute0_lowered:
.L_overlay_start_1:
0x0: {  	(tag) =	ssettag $0x1  }
0x1: {  	s4 =	rddreg [dreg:$0x0]  }
0x2: {  	s6 =	rddreg [dreg:$0x1]  }
0x3: {  	s7 =	rddreg [dreg:$0x2]  }
0x4: {  	s1 =	rddreg [dreg:$0x3]  }
0x5: {  	s0 =	rddreg [dreg:$0x4]  }
0x6: {  	s3 =	simm.s32 $0x0;
	s5 =	srdreg.scid;
	s2 =	stileid.u32  }
0x7: {  	s11 =	simm.s32 $0x2000;
	s12 =	simm.s32 $0x3;
	s13 =	simm.s32 $0x2180  }
0x8: {  	s14 =	simm.s32 $0x80;
	s15 =	simm.s32 $0x400;
	s16 =	simm.s32 $0x1000  }
0x9: {  	s17 =	simm.s32 $0x1;
	s18 =	simm.s32 $0x2300;
	s19 =	simm.s32 $0x2  }
0xa: {  	s20 =	simm.s32 $0x0;
	[smem:$0x7FF] =	sst s3;
	s5 =	sand.u32 $0x1, s5  }
0xb: {  	s9 =	sshll.u32 s2, $0x9;
	s8 =	ssub.s32 $0x2, s5;
	s5 =	sshll.u32 s5, $0x8  }
0xc: {  	s4 =	sadd.s32 $0x5200, s4;
	s10 =	sshrl.u32 s8, $0x1;
	s5 =	sor.u32 s5, s9  }
0xd: {  	_ =	strace $0x80000047;
	s10 =	ssub.s32 s8, s10;
	s31 =	sshrl.u32 s5, $0x3  }
0xe: {  	s9 =	sshll.u32 s5, $0x9;
	s6 =	sadd.s32 s6, s31;
	s7 =	sadd.s32 s7, s31  }
0xf: {  	v0 =	vlaneseq.u32;
	s8 =	sadd.s32 s4, s9;
	s9 =	sshll.u32 s2, $0xC;
	s10 =	smax.u32 s10, $0x1  }
.LBB2_1:
0x10: {  	[tilespmem:s11], [sflag:$0x3] =	stream.linear.gather [hbm4b:s6+s3], $0x100, $0x38;
	[tilespmem:$0x2380] =	vst v63  }
0x11: {  	_ =	swait.ge [sflag:s12], $0x100  }
0x12: {  	[sflag:s12] =	ssyncset.done $0x0  }
0x13: {  	[sflag:s12] =	ssyncadd.s32 $0xFFFFFF00  }
0x14: {  	[tilespmem:s13], [sflag:$0x3] =	stream.linear.gather [hbm4b:s7+s3], $0x100, $0x38;
	[tilespmem:$0x2380] =	vst v63  }
0x15: {  	_ =	swait.ge [sflag:s12], $0x100  }
0x16: {  	[sflag:s12] =	ssyncset.done $0x0  }
0x17: {  	s21 =	simm.s32 $0x0;
	[sflag:s12] =	ssyncadd.s32 $0xFFFFFF00  }
0x18: {  	[tilespmem:s3], [sflag:$0x1] =	stream.strided.gather [hbm4b:s8+s14], $0x1000, s15, s14, $0x38;
	[tilespmem:$0x2380] =	vst v63  }
.LBB2_2:
0x19: {  	s22 =	sshll.u32 s21, $0x1  }
0x1a: {  	s24 =	sshll.u32 s21, $0x5;
	s23 =	sor.u32 s5, s22  }
0x1b: {  	s24 =	sand.u32 $0x60, s24;
	s25 =	sshll.u32 s23, $0x9  }
0x1c: {  	s24 =	sadd.s32 s24, s4;
	s25 =	sand.u32 $0x3FF000, s25  }
0x1d: {  	s24 =	sadd.s32 s25, s24  }
0x1e: {  	s24 =	sadd.s32 $0x10, s24  }
0x1f: {  	[tilespmem:s16], [sflag:$0x2] =	stream.strided.gather [hbm4b:s24+s14], $0x1000, s15, s14, $0x38;
	[tilespmem:$0x2380] =	vst v63  }
0x20: {  	_ =	swait.ge [sflag:s17], $0x1000  }
0x21: {  	[sflag:s17] =	ssyncset.done $0x0  }
0x22: {  	[sflag:s17] =	ssyncadd.s32 $0xFFFFF000  }
0x23: {  	v2 =	vld.msk [tilespmem:s22+$0x2180 ss:$0x0], $0xffff;
	_ =	sdelay $0x4  }
0x24: {  	v3 =	vimm.s32 $0x0;
	v1 =	vld.msk [tilespmem:s22+$0x2000 ss:$0x0], $0xffff;
	[tilespmem:$0x2300] =	vst v2  }
0x25: {  	(v2sf) =	vpush v3, $0x0;
	[tilespmem:$0x2310] =	vst v2  }
0x26: {  	[tilespmem:$0x2320] =	vst v2  }
0x27: {  	[tilespmem:$0x2330] =	vst v2  }
0x28: {  	s31 =	simm.s32 $0x0;
	[tilespmem:$0x2340] =	vst v2  }
0x29: {  	v2 =	vld [tilespmem:s31+$0x0];
	_ =	sdelay $0x4  }
0x2a: {  	vm0 =	vle.f32 v2, v1  }
0x2b: {  	v2 =	vmpcnt.ones.xlane vm0;
	_ =	sdelay $0x1  }
0x2c: {  	v2 =	vadd.s32 v3, v2  }
0x2d: {  	vm1 =	vlt.s32 v2, $0x40  }
0x2e: {  	s26 =	simm.s32 $0x80;
	v2 =	vnsel vm1, $0x40, v2  }
0x2f: {  	s25 =	smov.u32 s9;
	s24 =	simm.s32 $0x10;
	s28 =	spop (v2sf);
	v3 =	vor.u32 s9, v0;
	(v2sf) =	vpush v2, $0x0  }
.LBB2_3:
0x30: {  	s29 =	sshra.s32 s26, $0x2  }
0x31: {  	[tilespmem:s28+$0x2300] =	vst.msk vm0, v3;
	s25 =	sadd.s32 $0x10, s25;
	s28 =	smov.u32 s26;
	s30 =	sadd.s32 $0x40, s26  }
0x32: {  	p0 =	sne.s32 s26, $0x3FC0;
	v3 =	vld [tilespmem:s24+$0x0];
	s24 =	smov.u32 s29;
	_ =	sdelay $0x4  }
0x33: {  	vm0 =	vle.f32 v3, v1  }
0x34: {  	v3 =	vmpcnt.ones.xlane vm0;
	_ =	sdelay $0x1  }
.Ltmp0:
0x35: {  	v2 =	vadd.s32 v2, v3;
	(pc) =	sbr.rel @p0 .LBB2_3-.Ltmp0, $4  }
0x36: {  	vm1 =	vlt.s32 v2, $0x40  }
0x37: {  	v2 =	vnsel vm1, $0x40, v2  }
0x38: {  	(v2sf) =	vpush v2, $0x0  }
0x39: {  	s26 =	smov.u32 s30;
	v3 =	vor.u32 s25, v0;
	s28 =	spop (v2sf)  }
0x3a: {  	_ =	sdelay $0x6  }
0x3b: {  	[tilespmem:s28+$0x2300] =	vst.msk vm0, v3  }
0x3c: {  	v2 =	vld [tilespmem:s24+$0x0];
	_ =	sdelay $0x2  }
0x3d: {  	p0 =	seq.s32 s21, $0x7F  }
0x3e: {  	s26 =	sadd.s32 $0x10, s25;
	s29 =	sshll.u32 s23, $0x3;
	s23 =	sadd.s32 @!p0 $0x2, s23  }
0x3f: {  	s24 =	sshll.u32 @!p0 s23, $0x4;
	vm0 =	vle.f32 v2, v1;
	v1 =	vor.u32 s26, v0;
	s28 =	spop (v2sf)  }
0x40: {  	s30 =	sadd.s32 s1, s29;
	s23 =	sshll.u32 @!p0 s23, $0x9;
	s24 =	sand.u32 @!p0 $0x60, s24;
	[tilespmem:s28+$0x2300] =	vst.msk vm0, v1  }
0x41: {  	[hbm4b:s30+s3] =	stream.linear.scatter [tilespmem:s18], [sflag:$0x3], $0x40, $0x38;
	[tilespmem:$0x2380] =	vst v63  }
0x42: {  	s23 =	sand.u32 @!p0 $0xFFFF000, s23;
	s24 =	sadd.s32 @!p0 s4, s24;
	_ =	swait.ge [sflag:s12], $0x40  }
0x43: {  	s25 =	simm.s32 @!p0 $0x400;
	s23 =	sadd.s32 @!p0 s23, s24;
	[sflag:s12] =	ssyncset.done $0x0  }
0x44: {  	s24 =	simm.s32 @!p0 $0x80;
	s26 =	simm.s32 @!p0 $0x0;
	[sflag:s12] =	ssyncadd.s32 $0xFFFFFFC0  }
0x45: {  	[tilespmem:s26], [sflag:$0x1] =	stream.strided.gather @!p0 [hbm4b:s23+s24], $0x1000, s25, s24, $0x38;
	[tilespmem:$0x2380] =	vst v63  }
0x46: {  	_ =	swait.ge [sflag:s19], $0x1000  }
0x47: {  	[sflag:s19] =	ssyncset.done $0x0  }
0x48: {  	[sflag:s19] =	ssyncadd.s32 $0xFFFFF000  }
0x49: {  	v2 =	vld.msk [tilespmem:s22+$0x2181 ss:$0x0], $0xffff;
	_ =	sdelay $0x4  }
0x4a: {  	v3 =	vimm.s32 $0x0;
	v1 =	vld.msk [tilespmem:s22+$0x2001 ss:$0x0], $0xffff;
	[tilespmem:$0x2300] =	vst v2  }
0x4b: {  	(v2sf) =	vpush v3, $0x0;
	[tilespmem:$0x2310] =	vst v2  }
0x4c: {  	[tilespmem:$0x2320] =	vst v2  }
0x4d: {  	[tilespmem:$0x2330] =	vst v2  }
0x4e: {  	s31 =	simm.s32 $0x0;
	[tilespmem:$0x2340] =	vst v2  }
0x4f: {  	v2 =	vld [tilespmem:s31+$0x1000];
	_ =	sdelay $0x4  }
0x50: {  	vm0 =	vle.f32 v2, v1  }
0x51: {  	v2 =	vmpcnt.ones.xlane vm0;
	_ =	sdelay $0x1  }
0x52: {  	v2 =	vadd.s32 v3, v2  }
0x53: {  	vm1 =	vlt.s32 v2, $0x40  }
0x54: {  	s23 =	simm.s32 $0x10;
	s25 =	simm.s32 $0x80;
	v2 =	vnsel vm1, $0x40, v2  }
0x55: {  	s24 =	smov.u32 s9;
	s22 =	sor.u32 $0x1, s22;
	s26 =	spop (v2sf);
	v3 =	vor.u32 s9, v0;
	(v2sf) =	vpush v2, $0x0  }
.LBB2_5:
0x56: {  	s28 =	sshra.s32 s25, $0x2  }
0x57: {  	[tilespmem:s26+$0x2300] =	vst.msk vm0, v3;
	s24 =	sadd.s32 $0x10, s24;
	s26 =	smov.u32 s25;
	s29 =	sadd.s32 $0x40, s25  }
0x58: {  	p0 =	sne.s32 s25, $0x3FC0;
	v3 =	vld [tilespmem:s23+$0x1000];
	s23 =	smov.u32 s28;
	_ =	sdelay $0x4  }
0x59: {  	vm0 =	vle.f32 v3, v1  }
0x5a: {  	v3 =	vmpcnt.ones.xlane vm0;
	_ =	sdelay $0x1  }
.Ltmp1:
0x5b: {  	v2 =	vadd.s32 v2, v3;
	(pc) =	sbr.rel @p0 .LBB2_5-.Ltmp1, $4  }
0x5c: {  	vm1 =	vlt.s32 v2, $0x40  }
0x5d: {  	v2 =	vnsel vm1, $0x40, v2  }
0x5e: {  	(v2sf) =	vpush v2, $0x0  }
0x5f: {  	s25 =	smov.u32 s29;
	v3 =	vor.u32 s24, v0;
	s26 =	spop (v2sf)  }
0x60: {  	_ =	sdelay $0x6  }
0x61: {  	[tilespmem:s26+$0x2300] =	vst.msk vm0, v3  }
0x62: {  	v2 =	vld [tilespmem:s23+$0x1000];
	_ =	sdelay $0x3  }
0x63: {  	s30 =	sadd.s32 $0x10, s24;
	s22 =	sadd.s32 s5, s22;
	s21 =	sadd.s32 $0x1, s21  }
0x64: {  	s22 =	sshll.u32 s22, $0x3;
	p0 =	sne.s32 s21, $0x80;
	vm15 =	vle.f32 v2, v1;
	v1 =	vor.u32 s30, v0;
	s31 =	spop (v2sf)  }
.Ltmp2:
0x65: {  	s22 =	sadd.s32 s1, s22;
	[tilespmem:s31+$0x2300] =	vst.msk vm15, v1;
	(pc) =	sbr.rel @p0 .LBB2_2-.Ltmp2, $4  }
0x66: {  	[hbm4b:s22+s3] =	stream.linear.scatter [tilespmem:s18], [sflag:$0x3], $0x40, $0x38;
	[tilespmem:$0x2380] =	vst v63  }
0x67: {  	_ =	swait.ge [sflag:s12], $0x40  }
0x68: {  	[sflag:s12] =	ssyncset.done $0x0  }
0x69: {  	[sflag:s12] =	ssyncadd.s32 $0xFFFFFFC0  }
0x6a: {  	s20 =	sadd.s32 $0x1, s20  }
0x6b: {  	p0 =	sne.s32 s20, s10  }
.Ltmp3:
0x6c: {  	_ = 	snop;
	(pc) =	sbr.rel @p0 .LBB2_1-.Ltmp3, $1  }
0x6d: {  	_ =	sdelay $0x3  }
0x6e: {  	_ =	sfence.sel $0x180000  }
0x6f: {  	[bflag:$0x0] =	sbarrier.arrive $0xFFFF  }
0x70: {  	p0 =	sne.s32 s2, $0x0;
	_ =	strace $0x90000047  }
0x71: {  	s0 =	sadd.s32 @!p0 $0x100000, s0;
	[bflag:$0x2] =	sbarrier.arrive $0xFFFF  }
0x72: {  	[sflag:s0] =	ssyncadd.tile.s32 @!p0 $0x1;
	_ =	shalt  }
.Lfunc_end2:
_tile_overlayer_lowered:
.L_overlay_start_2:
0x73: {  	(tag) =	ssettag $0x2  }
0x74: {  	s0 =	rddreg [dreg:$0x0];
	s2 =	stileid.u32  }
0x75: {  	s1 =	rddreg [dreg:$0x1];
	p0 =	sne.s32 s2, $0x0  }
0x76: {  	s3 =	rddreg [dreg:$0x2];
	[bflag:$0x3] =	sbarrier.arrive $0xFFFF;
	s2 =	simm.s32 @!p0 $0x1C03  }
0x77: {  	[timem:s3], [sflag:s2] =	dma.local @!p0 [hbm:s0], s1  }
0x78: {  	s0 =	simm.s32 @!p0 $0x3  }
0x79: {  	_ =	swait.ge @!p0 [sflag:s0], s1  }
0x7a: {  	s1 =	ssub.s32 @!p0 $0x0, s1;
	[sflag:s0] =	ssyncset.done @!p0 $0x0  }
0x7b: {  	[sflag:s0] =	ssyncadd.s32 @!p0 s1  }
0x7c: {  	[bflag:$0x3] =	sbarrier.arrive $0xFFFF  }
0x7d: {  	_ =	shalt  }

</sc_bundles>
